<compile_context>
chip_gen: v7x
topology: tpu7x:2x2x1
jax: 0.10.2.dev20260603
libtpu: 0.0.44.dev20260713+nightly
codegen_flags: <defaults>
</compile_context>

<pallas_src>
import jax
import jax.numpy as jnp
from jax import lax
from jax.experimental import pallas as pl
from jax.experimental.pallas import tpu as pltpu
from jax.experimental.pallas import tpu_sc as plsc

B = 16384
C = 1000
L = 16
NC = 2
NS = 16
NW = NC * NS
BPW = B // NW
NCHUNK = 4
CHUNK = BPW // NCHUNK
NV = BPW // L


def _sc_gather_loss(logits_hbm, labels_hbm, out_hbm, labels_v, idx_v,
                    vals_v, acc_v, sem):
    wid = lax.axis_index("s") * NC + lax.axis_index("c")
    base = wid * BPW
    pltpu.sync_copy(labels_hbm.at[pl.ds(base, BPW)], labels_v)

    iota = lax.iota(jnp.int32, L)
    for j in range(NV):
        lbl = labels_v[pl.ds(j * L, L)]
        i_vec = base + j * L + iota
        w = (lax.shift_left(lax.shift_right_logical(lbl, 3), 17)
             + lax.shift_left(lax.shift_right_logical(i_vec, 7), 10)
             + lax.shift_left(jnp.bitwise_and(lbl, 7), 7)
             + jnp.bitwise_and(i_vec, 127))
        idx_v[j // (CHUNK // L), pl.ds((j % (CHUNK // L)) * L, L)] = w

    copies = [
        pltpu.async_copy(logits_hbm.at[idx_v.at[k]],
                         vals_v.at[pl.ds(k * CHUNK, CHUNK)], sem)
        for k in range(NCHUNK)
    ]
    for c in copies:
        c.wait()

    acc = jnp.zeros((L,), jnp.float32)
    for j in range(NV):
        acc = acc + vals_v[pl.ds(j * L, L)]

    acc_v[...] = acc * (-10.0 / B)
    pltpu.sync_copy(acc_v, out_hbm.at[wid])


@jax.jit
def kernel(logits, labels):
    flat_logits = (logits.T.reshape(C // 8, 8, B // 128, 128)
                   .transpose(0, 2, 1, 3).reshape(B * C))
    labels32 = labels.astype(jnp.int32)
    partials = pl.kernel(
        _sc_gather_loss,
        out_type=jax.ShapeDtypeStruct((NW, L), jnp.float32),
        mesh=plsc.VectorSubcoreMesh(core_axis_name="c", subcore_axis_name="s"),
        scratch_types=[
            pltpu.VMEM((BPW,), jnp.int32),
            pltpu.VMEM((NCHUNK, CHUNK), jnp.int32),
            pltpu.VMEM((BPW,), jnp.float32),
            pltpu.VMEM((L,), jnp.float32),
            pltpu.SemaphoreType.DMA,
        ],
    )(flat_logits, labels32)
    return 10.0 + jnp.sum(partials)

# --- scband reference (transcript-rebuilt; emitter-appended) ---
"""Pipeline reference for scband-mysmoth-loss-78237124264009 (READ-ONLY COPY).

The authoritative reference and input builder live on the scoring server;
editing this copy changes nothing except your own understanding.
"""

import jax, jax.numpy as jnp
import numpy as np


def setup_inputs(seed: int = 0) -> dict:
    key = jax.random.key(seed)
    k1, k2 = jax.random.split(key)
    logits = jax.random.normal(k1, (16384, 1000), dtype=jnp.float32)
    labels = jax.random.randint(k2, (16384,), 0, 1000, dtype=jnp.int64)
    return {"logits": logits, "labels": labels}


def reference(logits, labels):
    batch_size = logits.shape[0]
    selected_logits = logits[jnp.arange(batch_size), labels]
    loss = 1.0 - selected_logits
    final_loss = jnp.mean(loss)
    return 10 * final_loss

if __name__ == "__main__":
    import jax
    _d = setup_inputs()
    print(jax.jit(kernel)(*tuple(_d.values())))

</pallas_src>

<mosaic_0001>
#map = affine_map<(d0, d1) -> (0)>
#map1 = affine_map<(d0, d1) -> (0, 0)>
module attributes {stable_mosaic.version = 14 : i64} {
  func.func @_sc_gather_loss(%arg0: i32, %arg1: i32, %arg2: memref<16384000xf32, #tpu.memory_space<hbm>>, %arg3: memref<16384xi32, #tpu.memory_space<hbm>>, %arg4: memref<32x16xf32, #tpu.memory_space<hbm>>, %arg5: memref<512xi32, #tpu.memory_space<vmem>>, %arg6: memref<4x128xi32, #tpu.memory_space<vmem>>, %arg7: memref<512xf32, #tpu.memory_space<vmem>>, %arg8: memref<16xf32, #tpu.memory_space<vmem>>, %arg9: memref<!tpu.dma_semaphore, #tpu.memory_space<semaphore_mem>>) attributes {dimension_semantics = [#tpu.dimension_semantics<core_parallel>, #tpu.dimension_semantics<subcore_parallel>], iteration_bounds = array<i64: 2, 16>, scalar_prefetch = 0 : i64, scratch_operands = 5 : i64, tpu.core_type = #tpu.core_type<sc_vector_subcore>, window_params = [{transform_indices = #map}, {transform_indices = #map}, {transform_indices = #map1}]} {
    %mul3A = arith.constant 2 : i32
    %mul3A_0 = arith.muli %arg1, %mul3A : i32
    %add3A = arith.addi %mul3A_0, %arg0 : i32
    %mul3A_1 = arith.constant 512 : i32
    %mul3A_2 = arith.muli %add3A, %mul3A_1 : i32
    "tpu.region"() ({
      %run_scoped3A = tpu.sem_alloc : memref<!tpu.dma_semaphore, #tpu.memory_space<semaphore_mem>>
      %dma_start3A_1380 = tpu.memref_slice %arg3[%mul3A_2] : memref<16384xi32, #tpu.memory_space<hbm>> -> memref<512xi32, #tpu.memory_space<hbm>>
      %dma_start3A_1381 = tpu.memref_slice %arg3[%mul3A_2] : memref<16384xi32, #tpu.memory_space<hbm>> -> memref<512xi32, #tpu.memory_space<hbm>>
      tpu.enqueue_dma source(%dma_start3A_1381 : memref<512xi32, #tpu.memory_space<hbm>>) target(%arg5 : memref<512xi32, #tpu.memory_space<vmem>>) target_semaphore(%run_scoped3A : memref<!tpu.dma_semaphore, #tpu.memory_space<semaphore_mem>>)
      %dma_wait3A_1382 = tpu.memref_slice %arg3[%mul3A_2] : memref<16384xi32, #tpu.memory_space<hbm>> -> memref<512xi32, #tpu.memory_space<hbm>>
      %dma_wait3A_1383 = tpu.memref_slice %arg3[%mul3A_2] : memref<16384xi32, #tpu.memory_space<hbm>> -> memref<512xi32, #tpu.memory_space<hbm>>
      tpu.wait_dma2 semaphore(%run_scoped3A : memref<!tpu.dma_semaphore, #tpu.memory_space<semaphore_mem>>) src(%dma_wait3A_1383 : memref<512xi32, #tpu.memory_space<hbm>>) dst(%arg5 : memref<512xi32, #tpu.memory_space<vmem>>)
      tpu.yield
    }) : () -> ()
    %iota3A = tpu.iota {dimensions = array<i32: 0>} : vector<16xi32>
    %get3A = arith.constant 0 : index
    %get3A_3 = tpu.vector_load %arg5[%get3A] {strides = array<i32>} : memref<512xi32, #tpu.memory_space<vmem>>, vector<16xi32>,
    %get3A_4 = vector.shape_cast %get3A_3 : vector<16xi32> to vector<16xi32>
    %add3A_5 = arith.constant 0 : i32
    %add3A_6 = arith.addi %mul3A_2, %add3A_5 : i32
    %add3A_7 = vector.broadcast %add3A_6 : i32 to vector<16xi32>
    %add3A_8 = arith.addi %add3A_7, %iota3A : vector<16xi32>
    %shift_right_logical3A = arith.constant 3 : i32
    %shift_right_logical3A_9 = vector.broadcast %shift_right_logical3A : i32 to vector<16xi32>
    %shift_right_logical3A_10 = arith.shrui %get3A_4, %shift_right_logical3A_9 : vector<16xi32>
    %shift_left3A = arith.constant 17 : i32
    %shift_left3A_11 = vector.broadcast %shift_left3A : i32 to vector<16xi32>
    %shift_left3A_12 = arith.shli %shift_right_logical3A_10, %shift_left3A_11 : vector<16xi32>
    %shift_right_logical3A_13 = arith.constant 7 : i32
    %shift_right_logical3A_14 = vector.broadcast %shift_right_logical3A_13 : i32 to vector<16xi32>
    %shift_right_logical3A_15 = arith.shrui %add3A_8, %shift_right_logical3A_14 : vector<16xi32>
    %shift_left3A_16 = arith.constant 10 : i32
    %shift_left3A_17 = vector.broadcast %shift_left3A_16 : i32 to vector<16xi32>
    %shift_left3A_18 = arith.shli %shift_right_logical3A_15, %shift_left3A_17 : vector<16xi32>
    %add3A_19 = arith.addi %shift_left3A_12, %shift_left3A_18 : vector<16xi32>
    %and3A = arith.constant 7 : i32
    %and3A_20 = vector.broadcast %and3A : i32 to vector<16xi32>
    %and3A_21 = arith.andi %get3A_4, %and3A_20 : vector<16xi32>
    %shift_left3A_22 = arith.constant 7 : i32
    %shift_left3A_23 = vector.broadcast %shift_left3A_22 : i32 to vector<16xi32>
    %shift_left3A_24 = arith.shli %and3A_21, %shift_left3A_23 : vector<16xi32>
    %add3A_25 = arith.addi %add3A_19, %shift_left3A_24 : vector<16xi32>
    %and3A_26 = arith.constant 127 : i32
    %and3A_27 = vector.broadcast %and3A_26 : i32 to vector<16xi32>
    %and3A_28 = arith.andi %add3A_8, %and3A_27 : vector<16xi32>
    %add3A_29 = arith.addi %add3A_25, %and3A_28 : vector<16xi32>
    %swap3A = arith.constant 0 : i32
    %swap3A_30 = arith.index_cast %swap3A : i32 to index
    %swap3A_31 = arith.constant 0 : index
    %swap3A_32 = tpu.vector_load %arg6[%swap3A_30, %swap3A_31] {strides = array<i32>} : memref<4x128xi32, #tpu.memory_space<vmem>>, vector<1x16xi32>,
    %swap3A_33 = vector.shape_cast %swap3A_32 : vector<1x16xi32> to vector<16xi32>
    %swap3A_34 = vector.shape_cast %add3A_29 : vector<16xi32> to vector<1x16xi32>
    tpu.vector_store %arg6[%swap3A_30, %swap3A_31], %swap3A_34 {strides = array<i32>} : memref<4x128xi32, #tpu.memory_space<vmem>>, vector<1x16xi32>,
    %get3A_35 = arith.constant 16 : index
    %get3A_36 = tpu.vector_load %arg5[%get3A_35] {strides = array<i32>} : memref<512xi32, #tpu.memory_space<vmem>>, vector<16xi32>,
    %get3A_37 = vector.shape_cast %get3A_36 : vector<16xi32> to vector<16xi32>
    %add3A_38 = arith.constant 16 : i32
    %add3A_39 = arith.addi %mul3A_2, %add3A_38 : i32
    %add3A_40 = vector.broadcast %add3A_39 : i32 to vector<16xi32>
    %add3A_41 = arith.addi %add3A_40, %iota3A : vector<16xi32>
    %shift_right_logical3A_42 = arith.constant 3 : i32
    %shift_right_logical3A_43 = vector.broadcast %shift_right_logical3A_42 : i32 to vector<16xi32>
    %shift_right_logical3A_44 = arith.shrui %get3A_37, %shift_right_logical3A_43 : vector<16xi32>
    %shift_left3A_45 = arith.constant 17 : i32
    %shift_left3A_46 = vector.broadcast %shift_left3A_45 : i32 to vector<16xi32>
    %shift_left3A_47 = arith.shli %shift_right_logical3A_44, %shift_left3A_46 : vector<16xi32>
    %shift_right_logical3A_48 = arith.constant 7 : i32
    %shift_right_logical3A_49 = vector.broadcast %shift_right_logical3A_48 : i32 to vector<16xi32>
    %shift_right_logical3A_50 = arith.shrui %add3A_41, %shift_right_logical3A_49 : vector<16xi32>
    %shift_left3A_51 = arith.constant 10 : i32
    %shift_left3A_52 = vector.broadcast %shift_left3A_51 : i32 to vector<16xi32>
    %shift_left3A_53 = arith.shli %shift_right_logical3A_50, %shift_left3A_52 : vector<16xi32>
    %add3A_54 = arith.addi %shift_left3A_47, %shift_left3A_53 : vector<16xi32>
    %and3A_55 = arith.constant 7 : i32
    %and3A_56 = vector.broadcast %and3A_55 : i32 to vector<16xi32>
    %and3A_57 = arith.andi %get3A_37, %and3A_56 : vector<16xi32>
    %shift_left3A_58 = arith.constant 7 : i32
    %shift_left3A_59 = vector.broadcast %shift_left3A_58 : i32 to vector<16xi32>
    %shift_left3A_60 = arith.shli %and3A_57, %shift_left3A_59 : vector<16xi32>
    %add3A_61 = arith.addi %add3A_54, %shift_left3A_60 : vector<16xi32>
    %and3A_62 = arith.constant 127 : i32
    %and3A_63 = vector.broadcast %and3A_62 : i32 to vector<16xi32>
    %and3A_64 = arith.andi %add3A_41, %and3A_63 : vector<16xi32>
    %add3A_65 = arith.addi %add3A_61, %and3A_64 : vector<16xi32>
    %swap3A_66 = arith.constant 0 : i32
    %swap3A_67 = arith.index_cast %swap3A_66 : i32 to index
    %swap3A_68 = arith.constant 16 : index
    %swap3A_69 = tpu.vector_load %arg6[%swap3A_67, %swap3A_68] {strides = array<i32>} : memref<4x128xi32, #tpu.memory_space<vmem>>, vector<1x16xi32>,
    %swap3A_70 = vector.shape_cast %swap3A_69 : vector<1x16xi32> to vector<16xi32>
    %swap3A_71 = vector.shape_cast %add3A_65 : vector<16xi32> to vector<1x16xi32>
    tpu.vector_store %arg6[%swap3A_67, %swap3A_68], %swap3A_71 {strides = array<i32>} : memref<4x128xi32, #tpu.memory_space<vmem>>, vector<1x16xi32>,
    %get3A_72 = arith.constant 32 : index
    %get3A_73 = tpu.vector_load %arg5[%get3A_72] {strides = array<i32>} : memref<512xi32, #tpu.memory_space<vmem>>, vector<16xi32>,
    %get3A_74 = vector.shape_cast %get3A_73 : vector<16xi32> to vector<16xi32>
    %add3A_75 = arith.constant 32 : i32
    %add3A_76 = arith.addi %mul3A_2, %add3A_75 : i32
    %add3A_77 = vector.broadcast %add3A_76 : i32 to vector<16xi32>
    %add3A_78 = arith.addi %add3A_77, %iota3A : vector<16xi32>
    %shift_right_logical3A_79 = arith.constant 3 : i32
    %shift_right_logical3A_80 = vector.broadcast %shift_right_logical3A_79 : i32 to vector<16xi32>
    %shift_right_logical3A_81 = arith.shrui %get3A_74, %shift_right_logical3A_80 : vector<16xi32>
    %shift_left3A_82 = arith.constant 17 : i32
    %shift_left3A_83 = vector.broadcast %shift_left3A_82 : i32 to vector<16xi32>
    %shift_left3A_84 = arith.shli %shift_right_logical3A_81, %shift_left3A_83 : vector<16xi32>
    %shift_right_logical3A_85 = arith.constant 7 : i32
    %shift_right_logical3A_86 = vector.broadcast %shift_right_logical3A_85 : i32 to vector<16xi32>
    %shift_right_logical3A_87 = arith.shrui %add3A_78, %shift_right_logical3A_86 : vector<16xi32>
    %shift_left3A_88 = arith.constant 10 : i32
    %shift_left3A_89 = vector.broadcast %shift_left3A_88 : i32 to vector<16xi32>
    %shift_left3A_90 = arith.shli %shift_right_logical3A_87, %shift_left3A_89 : vector<16xi32>
    %add3A_91 = arith.addi %shift_left3A_84, %shift_left3A_90 : vector<16xi32>
    %and3A_92 = arith.constant 7 : i32
    %and3A_93 = vector.broadcast %and3A_92 : i32 to vector<16xi32>
    %and3A_94 = arith.andi %get3A_74, %and3A_93 : vector<16xi32>
    %shift_left3A_95 = arith.constant 7 : i32
    %shift_left3A_96 = vector.broadcast %shift_left3A_95 : i32 to vector<16xi32>
    %shift_left3A_97 = arith.shli %and3A_94, %shift_left3A_96 : vector<16xi32>
    %add3A_98 = arith.addi %add3A_91, %shift_left3A_97 : vector<16xi32>
    %and3A_99 = arith.constant 127 : i32
    %and3A_100 = vector.broadcast %and3A_99 : i32 to vector<16xi32>
    %and3A_101 = arith.andi %add3A_78, %and3A_100 : vector<16xi32>
    %add3A_102 = arith.addi %add3A_98, %and3A_101 : vector<16xi32>
    %swap3A_103 = arith.constant 0 : i32
    %swap3A_104 = arith.index_cast %swap3A_103 : i32 to index
    %swap3A_105 = arith.constant 32 : index
    %swap3A_106 = tpu.vector_load %arg6[%swap3A_104, %swap3A_105] {strides = array<i32>} : memref<4x128xi32, #tpu.memory_space<vmem>>, vector<1x16xi32>,
    %swap3A_107 = vector.shape_cast %swap3A_106 : vector<1x16xi32> to vector<16xi32>
    %swap3A_108 = vector.shape_cast %add3A_102 : vector<16xi32> to vector<1x16xi32>
    tpu.vector_store %arg6[%swap3A_104, %swap3A_105], %swap3A_108 {strides = array<i32>} : memref<4x128xi32, #tpu.memory_space<vmem>>, vector<1x16xi32>,
    %get3A_109 = arith.constant 48 : index
    %get3A_110 = tpu.vector_load %arg5[%get3A_109] {strides = array<i32>} : memref<512xi32, #tpu.memory_space<vmem>>, vector<16xi32>,
    %get3A_111 = vector.shape_cast %get3A_110 : vector<16xi32> to vector<16xi32>
    %add3A_112 = arith.constant 48 : i32
    %add3A_113 = arith.addi %mul3A_2, %add3A_112 : i32
    %add3A_114 = vector.broadcast %add3A_113 : i32 to vector<16xi32>
    %add3A_115 = arith.addi %add3A_114, %iota3A : vector<16xi32>
    %shift_right_logical3A_116 = arith.constant 3 : i32
    %shift_right_logical3A_117 = vector.broadcast %shift_right_logical3A_116 : i32 to vector<16xi32>
    %shift_right_logical3A_118 = arith.shrui %get3A_111, %shift_right_logical3A_117 : vector<16xi32>
    %shift_left3A_119 = arith.constant 17 : i32
    %shift_left3A_120 = vector.broadcast %shift_left3A_119 : i32 to vector<16xi32>
    %shift_left3A_121 = arith.shli %shift_right_logical3A_118, %shift_left3A_120 : vector<16xi32>
    %shift_right_logical3A_122 = arith.constant 7 : i32
    %shift_right_logical3A_123 = vector.broadcast %shift_right_logical3A_122 : i32 to vector<16xi32>
    %shift_right_logical3A_124 = arith.shrui %add3A_115, %shift_right_logical3A_123 : vector<16xi32>
    %shift_left3A_125 = arith.constant 10 : i32
    %shift_left3A_126 = vector.broadcast %shift_left3A_125 : i32 to vector<16xi32>
    %shift_left3A_127 = arith.shli %shift_right_logical3A_124, %shift_left3A_126 : vector<16xi32>
    %add3A_128 = arith.addi %shift_left3A_121, %shift_left3A_127 : vector<16xi32>
    %and3A_129 = arith.constant 7 : i32
    %and3A_130 = vector.broadcast %and3A_129 : i32 to vector<16xi32>
    %and3A_131 = arith.andi %get3A_111, %and3A_130 : vector<16xi32>
    %shift_left3A_132 = arith.constant 7 : i32
    %shift_left3A_133 = vector.broadcast %shift_left3A_132 : i32 to vector<16xi32>
    %shift_left3A_134 = arith.shli %and3A_131, %shift_left3A_133 : vector<16xi32>
    %add3A_135 = arith.addi %add3A_128, %shift_left3A_134 : vector<16xi32>
    %and3A_136 = arith.constant 127 : i32
    %and3A_137 = vector.broadcast %and3A_136 : i32 to vector<16xi32>
    %and3A_138 = arith.andi %add3A_115, %and3A_137 : vector<16xi32>
    %add3A_139 = arith.addi %add3A_135, %and3A_138 : vector<16xi32>
    %swap3A_140 = arith.constant 0 : i32
    %swap3A_141 = arith.index_cast %swap3A_140 : i32 to index
    %swap3A_142 = arith.constant 48 : index
    %swap3A_143 = tpu.vector_load %arg6[%swap3A_141, %swap3A_142] {strides = array<i32>} : memref<4x128xi32, #tpu.memory_space<vmem>>, vector<1x16xi32>,
    %swap3A_144 = vector.shape_cast %swap3A_143 : vector<1x16xi32> to vector<16xi32>
    %swap3A_145 = vector.shape_cast %add3A_139 : vector<16xi32> to vector<1x16xi32>
    tpu.vector_store %arg6[%swap3A_141, %swap3A_142], %swap3A_145 {strides = array<i32>} : memref<4x128xi32, #tpu.memory_space<vmem>>, vector<1x16xi32>,
    %get3A_146 = arith.constant 64 : index
    %get3A_147 = tpu.vector_load %arg5[%get3A_146] {strides = array<i32>} : memref<512xi32, #tpu.memory_space<vmem>>, vector<16xi32>,
    %get3A_148 = vector.shape_cast %get3A_147 : vector<16xi32> to vector<16xi32>
    %add3A_149 = arith.constant 64 : i32
    %add3A_150 = arith.addi %mul3A_2, %add3A_149 : i32
    %add3A_151 = vector.broadcast %add3A_150 : i32 to vector<16xi32>
    %add3A_152 = arith.addi %add3A_151, %iota3A : vector<16xi32>
    %shift_right_logical3A_153 = arith.constant 3 : i32
    %shift_right_logical3A_154 = vector.broadcast %shift_right_logical3A_153 : i32 to vector<16xi32>
    %shift_right_logical3A_155 = arith.shrui %get3A_148, %shift_right_logical3A_154 : vector<16xi32>
    %shift_left3A_156 = arith.constant 17 : i32
    %shift_left3A_157 = vector.broadcast %shift_left3A_156 : i32 to vector<16xi32>
    %shift_left3A_158 = arith.shli %shift_right_logical3A_155, %shift_left3A_157 : vector<16xi32>
    %shift_right_logical3A_159 = arith.constant 7 : i32
    %shift_right_logical3A_160 = vector.broadcast %shift_right_logical3A_159 : i32 to vector<16xi32>
    %shift_right_logical3A_161 = arith.shrui %add3A_152, %shift_right_logical3A_160 : vector<16xi32>
    %shift_left3A_162 = arith.constant 10 : i32
    %shift_left3A_163 = vector.broadcast %shift_left3A_162 : i32 to vector<16xi32>
    %shift_left3A_164 = arith.shli %shift_right_logical3A_161, %shift_left3A_163 : vector<16xi32>
    %add3A_165 = arith.addi %shift_left3A_158, %shift_left3A_164 : vector<16xi32>
    %and3A_166 = arith.constant 7 : i32
    %and3A_167 = vector.broadcast %and3A_166 : i32 to vector<16xi32>
    %and3A_168 = arith.andi %get3A_148, %and3A_167 : vector<16xi32>
    %shift_left3A_169 = arith.constant 7 : i32
    %shift_left3A_170 = vector.broadcast %shift_left3A_169 : i32 to vector<16xi32>
    %shift_left3A_171 = arith.shli %and3A_168, %shift_left3A_170 : vector<16xi32>
    %add3A_172 = arith.addi %add3A_165, %shift_left3A_171 : vector<16xi32>
    %and3A_173 = arith.constant 127 : i32
    %and3A_174 = vector.broadcast %and3A_173 : i32 to vector<16xi32>
    %and3A_175 = arith.andi %add3A_152, %and3A_174 : vector<16xi32>
    %add3A_176 = arith.addi %add3A_172, %and3A_175 : vector<16xi32>
    %swap3A_177 = arith.constant 0 : i32
    %swap3A_178 = arith.index_cast %swap3A_177 : i32 to index
    %swap3A_179 = arith.constant 64 : index
    %swap3A_180 = tpu.vector_load %arg6[%swap3A_178, %swap3A_179] {strides = array<i32>} : memref<4x128xi32, #tpu.memory_space<vmem>>, vector<1x16xi32>,
    %swap3A_181 = vector.shape_cast %swap3A_180 : vector<1x16xi32> to vector<16xi32>
    %swap3A_182 = vector.shape_cast %add3A_176 : vector<16xi32> to vector<1x16xi32>
    tpu.vector_store %arg6[%swap3A_178, %swap3A_179], %swap3A_182 {strides = array<i32>} : memref<4x128xi32, #tpu.memory_space<vmem>>, vector<1x16xi32>,
    %get3A_183 = arith.constant 80 : index
    %get3A_184 = tpu.vector_load %arg5[%get3A_183] {strides = array<i32>} : memref<512xi32, #tpu.memory_space<vmem>>, vector<16xi32>,
    %get3A_185 = vector.shape_cast %get3A_184 : vector<16xi32> to vector<16xi32>
    %add3A_186 = arith.constant 80 : i32
    %add3A_187 = arith.addi %mul3A_2, %add3A_186 : i32
    %add3A_188 = vector.broadcast %add3A_187 : i32 to vector<16xi32>
    %add3A_189 = arith.addi %add3A_188, %iota3A : vector<16xi32>
    %shift_right_logical3A_190 = arith.constant 3 : i32
    %shift_right_logical3A_191 = vector.broadcast %shift_right_logical3A_190 : i32 to vector<16xi32>
    %shift_right_logical3A_192 = arith.shrui %get3A_185, %shift_right_logical3A_191 : vector<16xi32>
    %shift_left3A_193 = arith.constant 17 : i32
    %shift_left3A_194 = vector.broadcast %shift_left3A_193 : i32 to vector<16xi32>
    %shift_left3A_195 = arith.shli %shift_right_logical3A_192, %shift_left3A_194 : vector<16xi32>
    %shift_right_logical3A_196 = arith.constant 7 : i32
    %shift_right_logical3A_197 = vector.broadcast %shift_right_logical3A_196 : i32 to vector<16xi32>
    %shift_right_logical3A_198 = arith.shrui %add3A_189, %shift_right_logical3A_197 : vector<16xi32>
    %shift_left3A_199 = arith.constant 10 : i32
    %shift_left3A_200 = vector.broadcast %shift_left3A_199 : i32 to vector<16xi32>
    %shift_left3A_201 = arith.shli %shift_right_logical3A_198, %shift_left3A_200 : vector<16xi32>
    %add3A_202 = arith.addi %shift_left3A_195, %shift_left3A_201 : vector<16xi32>
    %and3A_203 = arith.constant 7 : i32
    %and3A_204 = vector.broadcast %and3A_203 : i32 to vector<16xi32>
    %and3A_205 = arith.andi %get3A_185, %and3A_204 : vector<16xi32>
    %shift_left3A_206 = arith.constant 7 : i32
    %shift_left3A_207 = vector.broadcast %shift_left3A_206 : i32 to vector<16xi32>
    %shift_left3A_208 = arith.shli %and3A_205, %shift_left3A_207 : vector<16xi32>
    %add3A_209 = arith.addi %add3A_202, %shift_left3A_208 : vector<16xi32>
    %and3A_210 = arith.constant 127 : i32
    %and3A_211 = vector.broadcast %and3A_210 : i32 to vector<16xi32>
    %and3A_212 = arith.andi %add3A_189, %and3A_211 : vector<16xi32>
    %add3A_213 = arith.addi %add3A_209, %and3A_212 : vector<16xi32>
    %swap3A_214 = arith.constant 0 : i32
    %swap3A_215 = arith.index_cast %swap3A_214 : i32 to index
    %swap3A_216 = arith.constant 80 : index
    %swap3A_217 = tpu.vector_load %arg6[%swap3A_215, %swap3A_216] {strides = array<i32>} : memref<4x128xi32, #tpu.memory_space<vmem>>, vector<1x16xi32>,
    %swap3A_218 = vector.shape_cast %swap3A_217 : vector<1x16xi32> to vector<16xi32>
    %swap3A_219 = vector.shape_cast %add3A_213 : vector<16xi32> to vector<1x16xi32>
    tpu.vector_store %arg6[%swap3A_215, %swap3A_216], %swap3A_219 {strides = array<i32>} : memref<4x128xi32, #tpu.memory_space<vmem>>, vector<1x16xi32>,
    %get3A_220 = arith.constant 96 : index
    %get3A_221 = tpu.vector_load %arg5[%get3A_220] {strides = array<i32>} : memref<512xi32, #tpu.memory_space<vmem>>, vector<16xi32>,
    %get3A_222 = vector.shape_cast %get3A_221 : vector<16xi32> to vector<16xi32>
    %add3A_223 = arith.constant 96 : i32
    %add3A_224 = arith.addi %mul3A_2, %add3A_223 : i32
    %add3A_225 = vector.broadcast %add3A_224 : i32 to vector<16xi32>
    %add3A_226 = arith.addi %add3A_225, %iota3A : vector<16xi32>
    %shift_right_logical3A_227 = arith.constant 3 : i32
    %shift_right_logical3A_228 = vector.broadcast %shift_right_logical3A_227 : i32 to vector<16xi32>
    %shift_right_logical3A_229 = arith.shrui %get3A_222, %shift_right_logical3A_228 : vector<16xi32>
    %shift_left3A_230 = arith.constant 17 : i32
    %shift_left3A_231 = vector.broadcast %shift_left3A_230 : i32 to vector<16xi32>
    %shift_left3A_232 = arith.shli %shift_right_logical3A_229, %shift_left3A_231 : vector<16xi32>
    %shift_right_logical3A_233 = arith.constant 7 : i32
    %shift_right_logical3A_234 = vector.broadcast %shift_right_logical3A_233 : i32 to vector<16xi32>
    %shift_right_logical3A_235 = arith.shrui %add3A_226, %shift_right_logical3A_234 : vector<16xi32>
    %shift_left3A_236 = arith.constant 10 : i32
    %shift_left3A_237 = vector.broadcast %shift_left3A_236 : i32 to vector<16xi32>
    %shift_left3A_238 = arith.shli %shift_right_logical3A_235, %shift_left3A_237 : vector<16xi32>
    %add3A_239 = arith.addi %shift_left3A_232, %shift_left3A_238 : vector<16xi32>
    %and3A_240 = arith.constant 7 : i32
    %and3A_241 = vector.broadcast %and3A_240 : i32 to vector<16xi32>
    %and3A_242 = arith.andi %get3A_222, %and3A_241 : vector<16xi32>
    %shift_left3A_243 = arith.constant 7 : i32
    %shift_left3A_244 = vector.broadcast %shift_left3A_243 : i32 to vector<16xi32>
    %shift_left3A_245 = arith.shli %and3A_242, %shift_left3A_244 : vector<16xi32>
    %add3A_246 = arith.addi %add3A_239, %shift_left3A_245 : vector<16xi32>
    %and3A_247 = arith.constant 127 : i32
    %and3A_248 = vector.broadcast %and3A_247 : i32 to vector<16xi32>
    %and3A_249 = arith.andi %add3A_226, %and3A_248 : vector<16xi32>
    %add3A_250 = arith.addi %add3A_246, %and3A_249 : vector<16xi32>
    %swap3A_251 = arith.constant 0 : i32
    %swap3A_252 = arith.index_cast %swap3A_251 : i32 to index
    %swap3A_253 = arith.constant 96 : index
    %swap3A_254 = tpu.vector_load %arg6[%swap3A_252, %swap3A_253] {strides = array<i32>} : memref<4x128xi32, #tpu.memory_space<vmem>>, vector<1x16xi32>,
    %swap3A_255 = vector.shape_cast %swap3A_254 : vector<1x16xi32> to vector<16xi32>
    %swap3A_256 = vector.shape_cast %add3A_250 : vector<16xi32> to vector<1x16xi32>
    tpu.vector_store %arg6[%swap3A_252, %swap3A_253], %swap3A_256 {strides = array<i32>} : memref<4x128xi32, #tpu.memory_space<vmem>>, vector<1x16xi32>,
    %get3A_257 = arith.constant 112 : index
    %get3A_258 = tpu.vector_load %arg5[%get3A_257] {strides = array<i32>} : memref<512xi32, #tpu.memory_space<vmem>>, vector<16xi32>,
    %get3A_259 = vector.shape_cast %get3A_258 : vector<16xi32> to vector<16xi32>
    %add3A_260 = arith.constant 112 : i32
    %add3A_261 = arith.addi %mul3A_2, %add3A_260 : i32
    %add3A_262 = vector.broadcast %add3A_261 : i32 to vector<16xi32>
    %add3A_263 = arith.addi %add3A_262, %iota3A : vector<16xi32>
    %shift_right_logical3A_264 = arith.constant 3 : i32
    %shift_right_logical3A_265 = vector.broadcast %shift_right_logical3A_264 : i32 to vector<16xi32>
    %shift_right_logical3A_266 = arith.shrui %get3A_259, %shift_right_logical3A_265 : vector<16xi32>
    %shift_left3A_267 = arith.constant 17 : i32
    %shift_left3A_268 = vector.broadcast %shift_left3A_267 : i32 to vector<16xi32>
    %shift_left3A_269 = arith.shli %shift_right_logical3A_266, %shift_left3A_268 : vector<16xi32>
    %shift_right_logical3A_270 = arith.constant 7 : i32
    %shift_right_logical3A_271 = vector.broadcast %shift_right_logical3A_270 : i32 to vector<16xi32>
    %shift_right_logical3A_272 = arith.shrui %add3A_263, %shift_right_logical3A_271 : vector<16xi32>
    %shift_left3A_273 = arith.constant 10 : i32
    %shift_left3A_274 = vector.broadcast %shift_left3A_273 : i32 to vector<16xi32>
    %shift_left3A_275 = arith.shli %shift_right_logical3A_272, %shift_left3A_274 : vector<16xi32>
    %add3A_276 = arith.addi %shift_left3A_269, %shift_left3A_275 : vector<16xi32>
    %and3A_277 = arith.constant 7 : i32
    %and3A_278 = vector.broadcast %and3A_277 : i32 to vector<16xi32>
    %and3A_279 = arith.andi %get3A_259, %and3A_278 : vector<16xi32>
    %shift_left3A_280 = arith.constant 7 : i32
    %shift_left3A_281 = vector.broadcast %shift_left3A_280 : i32 to vector<16xi32>
    %shift_left3A_282 = arith.shli %and3A_279, %shift_left3A_281 : vector<16xi32>
    %add3A_283 = arith.addi %add3A_276, %shift_left3A_282 : vector<16xi32>
    %and3A_284 = arith.constant 127 : i32
    %and3A_285 = vector.broadcast %and3A_284 : i32 to vector<16xi32>
    %and3A_286 = arith.andi %add3A_263, %and3A_285 : vector<16xi32>
    %add3A_287 = arith.addi %add3A_283, %and3A_286 : vector<16xi32>
    %swap3A_288 = arith.constant 0 : i32
    %swap3A_289 = arith.index_cast %swap3A_288 : i32 to index
    %swap3A_290 = arith.constant 112 : index
    %swap3A_291 = tpu.vector_load %arg6[%swap3A_289, %swap3A_290] {strides = array<i32>} : memref<4x128xi32, #tpu.memory_space<vmem>>, vector<1x16xi32>,
    %swap3A_292 = vector.shape_cast %swap3A_291 : vector<1x16xi32> to vector<16xi32>
    %swap3A_293 = vector.shape_cast %add3A_287 : vector<16xi32> to vector<1x16xi32>
    tpu.vector_store %arg6[%swap3A_289, %swap3A_290], %swap3A_293 {strides = array<i32>} : memref<4x128xi32, #tpu.memory_space<vmem>>, vector<1x16xi32>,
    %get3A_294 = arith.constant 128 : index
    %get3A_295 = tpu.vector_load %arg5[%get3A_294] {strides = array<i32>} : memref<512xi32, #tpu.memory_space<vmem>>, vector<16xi32>,
    %get3A_296 = vector.shape_cast %get3A_295 : vector<16xi32> to vector<16xi32>
    %add3A_297 = arith.constant 128 : i32
    %add3A_298 = arith.addi %mul3A_2, %add3A_297 : i32
    %add3A_299 = vector.broadcast %add3A_298 : i32 to vector<16xi32>
    %add3A_300 = arith.addi %add3A_299, %iota3A : vector<16xi32>
    %shift_right_logical3A_301 = arith.constant 3 : i32
    %shift_right_logical3A_302 = vector.broadcast %shift_right_logical3A_301 : i32 to vector<16xi32>
    %shift_right_logical3A_303 = arith.shrui %get3A_296, %shift_right_logical3A_302 : vector<16xi32>
    %shift_left3A_304 = arith.constant 17 : i32
    %shift_left3A_305 = vector.broadcast %shift_left3A_304 : i32 to vector<16xi32>
    %shift_left3A_306 = arith.shli %shift_right_logical3A_303, %shift_left3A_305 : vector<16xi32>
    %shift_right_logical3A_307 = arith.constant 7 : i32
    %shift_right_logical3A_308 = vector.broadcast %shift_right_logical3A_307 : i32 to vector<16xi32>
    %shift_right_logical3A_309 = arith.shrui %add3A_300, %shift_right_logical3A_308 : vector<16xi32>
    %shift_left3A_310 = arith.constant 10 : i32
    %shift_left3A_311 = vector.broadcast %shift_left3A_310 : i32 to vector<16xi32>
    %shift_left3A_312 = arith.shli %shift_right_logical3A_309, %shift_left3A_311 : vector<16xi32>
    %add3A_313 = arith.addi %shift_left3A_306, %shift_left3A_312 : vector<16xi32>
    %and3A_314 = arith.constant 7 : i32
    %and3A_315 = vector.broadcast %and3A_314 : i32 to vector<16xi32>
    %and3A_316 = arith.andi %get3A_296, %and3A_315 : vector<16xi32>
    %shift_left3A_317 = arith.constant 7 : i32
    %shift_left3A_318 = vector.broadcast %shift_left3A_317 : i32 to vector<16xi32>
    %shift_left3A_319 = arith.shli %and3A_316, %shift_left3A_318 : vector<16xi32>
    %add3A_320 = arith.addi %add3A_313, %shift_left3A_319 : vector<16xi32>
    %and3A_321 = arith.constant 127 : i32
    %and3A_322 = vector.broadcast %and3A_321 : i32 to vector<16xi32>
    %and3A_323 = arith.andi %add3A_300, %and3A_322 : vector<16xi32>
    %add3A_324 = arith.addi %add3A_320, %and3A_323 : vector<16xi32>
    %swap3A_325 = arith.constant 1 : i32
    %swap3A_326 = arith.index_cast %swap3A_325 : i32 to index
    %swap3A_327 = arith.constant 0 : index
    %swap3A_328 = tpu.vector_load %arg6[%swap3A_326, %swap3A_327] {strides = array<i32>} : memref<4x128xi32, #tpu.memory_space<vmem>>, vector<1x16xi32>,
    %swap3A_329 = vector.shape_cast %swap3A_328 : vector<1x16xi32> to vector<16xi32>
    %swap3A_330 = vector.shape_cast %add3A_324 : vector<16xi32> to vector<1x16xi32>
    tpu.vector_store %arg6[%swap3A_326, %swap3A_327], %swap3A_330 {strides = array<i32>} : memref<4x128xi32, #tpu.memory_space<vmem>>, vector<1x16xi32>,
    %get3A_331 = arith.constant 144 : index
    %get3A_332 = tpu.vector_load %arg5[%get3A_331] {strides = array<i32>} : memref<512xi32, #tpu.memory_space<vmem>>, vector<16xi32>,
    %get3A_333 = vector.shape_cast %get3A_332 : vector<16xi32> to vector<16xi32>
    %add3A_334 = arith.constant 144 : i32
    %add3A_335 = arith.addi %mul3A_2, %add3A_334 : i32
    %add3A_336 = vector.broadcast %add3A_335 : i32 to vector<16xi32>
    %add3A_337 = arith.addi %add3A_336, %iota3A : vector<16xi32>
    %shift_right_logical3A_338 = arith.constant 3 : i32
    %shift_right_logical3A_339 = vector.broadcast %shift_right_logical3A_338 : i32 to vector<16xi32>
    %shift_right_logical3A_340 = arith.shrui %get3A_333, %shift_right_logical3A_339 : vector<16xi32>
    %shift_left3A_341 = arith.constant 17 : i32
    %shift_left3A_342 = vector.broadcast %shift_left3A_341 : i32 to vector<16xi32>
    %shift_left3A_343 = arith.shli %shift_right_logical3A_340, %shift_left3A_342 : vector<16xi32>
    %shift_right_logical3A_344 = arith.constant 7 : i32
    %shift_right_logical3A_345 = vector.broadcast %shift_right_logical3A_344 : i32 to vector<16xi32>
    %shift_right_logical3A_346 = arith.shrui %add3A_337, %shift_right_logical3A_345 : vector<16xi32>
    %shift_left3A_347 = arith.constant 10 : i32
    %shift_left3A_348 = vector.broadcast %shift_left3A_347 : i32 to vector<16xi32>
    %shift_left3A_349 = arith.shli %shift_right_logical3A_346, %shift_left3A_348 : vector<16xi32>
    %add3A_350 = arith.addi %shift_left3A_343, %shift_left3A_349 : vector<16xi32>
    %and3A_351 = arith.constant 7 : i32
    %and3A_352 = vector.broadcast %and3A_351 : i32 to vector<16xi32>
    %and3A_353 = arith.andi %get3A_333, %and3A_352 : vector<16xi32>
    %shift_left3A_354 = arith.constant 7 : i32
    %shift_left3A_355 = vector.broadcast %shift_left3A_354 : i32 to vector<16xi32>
    %shift_left3A_356 = arith.shli %and3A_353, %shift_left3A_355 : vector<16xi32>
    %add3A_357 = arith.addi %add3A_350, %shift_left3A_356 : vector<16xi32>
    %and3A_358 = arith.constant 127 : i32
    %and3A_359 = vector.broadcast %and3A_358 : i32 to vector<16xi32>
    %and3A_360 = arith.andi %add3A_337, %and3A_359 : vector<16xi32>
    %add3A_361 = arith.addi %add3A_357, %and3A_360 : vector<16xi32>
    %swap3A_362 = arith.constant 1 : i32
    %swap3A_363 = arith.index_cast %swap3A_362 : i32 to index
    %swap3A_364 = arith.constant 16 : index
    %swap3A_365 = tpu.vector_load %arg6[%swap3A_363, %swap3A_364] {strides = array<i32>} : memref<4x128xi32, #tpu.memory_space<vmem>>, vector<1x16xi32>,
    %swap3A_366 = vector.shape_cast %swap3A_365 : vector<1x16xi32> to vector<16xi32>
    %swap3A_367 = vector.shape_cast %add3A_361 : vector<16xi32> to vector<1x16xi32>
    tpu.vector_store %arg6[%swap3A_363, %swap3A_364], %swap3A_367 {strides = array<i32>} : memref<4x128xi32, #tpu.memory_space<vmem>>, vector<1x16xi32>,
    %get3A_368 = arith.constant 160 : index
    %get3A_369 = tpu.vector_load %arg5[%get3A_368] {strides = array<i32>} : memref<512xi32, #tpu.memory_space<vmem>>, vector<16xi32>,
    %get3A_370 = vector.shape_cast %get3A_369 : vector<16xi32> to vector<16xi32>
    %add3A_371 = arith.constant 160 : i32
    %add3A_372 = arith.addi %mul3A_2, %add3A_371 : i32
    %add3A_373 = vector.broadcast %add3A_372 : i32 to vector<16xi32>
    %add3A_374 = arith.addi %add3A_373, %iota3A : vector<16xi32>
    %shift_right_logical3A_375 = arith.constant 3 : i32
    %shift_right_logical3A_376 = vector.broadcast %shift_right_logical3A_375 : i32 to vector<16xi32>
    %shift_right_logical3A_377 = arith.shrui %get3A_370, %shift_right_logical3A_376 : vector<16xi32>
    %shift_left3A_378 = arith.constant 17 : i32
    %shift_left3A_379 = vector.broadcast %shift_left3A_378 : i32 to vector<16xi32>
    %shift_left3A_380 = arith.shli %shift_right_logical3A_377, %shift_left3A_379 : vector<16xi32>
    %shift_right_logical3A_381 = arith.constant 7 : i32
    %shift_right_logical3A_382 = vector.broadcast %shift_right_logical3A_381 : i32 to vector<16xi32>
    %shift_right_logical3A_383 = arith.shrui %add3A_374, %shift_right_logical3A_382 : vector<16xi32>
    %shift_left3A_384 = arith.constant 10 : i32
    %shift_left3A_385 = vector.broadcast %shift_left3A_384 : i32 to vector<16xi32>
    %shift_left3A_386 = arith.shli %shift_right_logical3A_383, %shift_left3A_385 : vector<16xi32>
    %add3A_387 = arith.addi %shift_left3A_380, %shift_left3A_386 : vector<16xi32>
    %and3A_388 = arith.constant 7 : i32
    %and3A_389 = vector.broadcast %and3A_388 : i32 to vector<16xi32>
    %and3A_390 = arith.andi %get3A_370, %and3A_389 : vector<16xi32>
    %shift_left3A_391 = arith.constant 7 : i32
    %shift_left3A_392 = vector.broadcast %shift_left3A_391 : i32 to vector<16xi32>
    %shift_left3A_393 = arith.shli %and3A_390, %shift_left3A_392 : vector<16xi32>
    %add3A_394 = arith.addi %add3A_387, %shift_left3A_393 : vector<16xi32>
    %and3A_395 = arith.constant 127 : i32
    %and3A_396 = vector.broadcast %and3A_395 : i32 to vector<16xi32>
    %and3A_397 = arith.andi %add3A_374, %and3A_396 : vector<16xi32>
    %add3A_398 = arith.addi %add3A_394, %and3A_397 : vector<16xi32>
    %swap3A_399 = arith.constant 1 : i32
    %swap3A_400 = arith.index_cast %swap3A_399 : i32 to index
    %swap3A_401 = arith.constant 32 : index
    %swap3A_402 = tpu.vector_load %arg6[%swap3A_400, %swap3A_401] {strides = array<i32>} : memref<4x128xi32, #tpu.memory_space<vmem>>, vector<1x16xi32>,
    %swap3A_403 = vector.shape_cast %swap3A_402 : vector<1x16xi32> to vector<16xi32>
    %swap3A_404 = vector.shape_cast %add3A_398 : vector<16xi32> to vector<1x16xi32>
    tpu.vector_store %arg6[%swap3A_400, %swap3A_401], %swap3A_404 {strides = array<i32>} : memref<4x128xi32, #tpu.memory_space<vmem>>, vector<1x16xi32>,
    %get3A_405 = arith.constant 176 : index
    %get3A_406 = tpu.vector_load %arg5[%get3A_405] {strides = array<i32>} : memref<512xi32, #tpu.memory_space<vmem>>, vector<16xi32>,
    %get3A_407 = vector.shape_cast %get3A_406 : vector<16xi32> to vector<16xi32>
    %add3A_408 = arith.constant 176 : i32
    %add3A_409 = arith.addi %mul3A_2, %add3A_408 : i32
    %add3A_410 = vector.broadcast %add3A_409 : i32 to vector<16xi32>
    %add3A_411 = arith.addi %add3A_410, %iota3A : vector<16xi32>
    %shift_right_logical3A_412 = arith.constant 3 : i32
    %shift_right_logical3A_413 = vector.broadcast %shift_right_logical3A_412 : i32 to vector<16xi32>
    %shift_right_logical3A_414 = arith.shrui %get3A_407, %shift_right_logical3A_413 : vector<16xi32>
    %shift_left3A_415 = arith.constant 17 : i32
    %shift_left3A_416 = vector.broadcast %shift_left3A_415 : i32 to vector<16xi32>
    %shift_left3A_417 = arith.shli %shift_right_logical3A_414, %shift_left3A_416 : vector<16xi32>
    %shift_right_logical3A_418 = arith.constant 7 : i32
    %shift_right_logical3A_419 = vector.broadcast %shift_right_logical3A_418 : i32 to vector<16xi32>
    %shift_right_logical3A_420 = arith.shrui %add3A_411, %shift_right_logical3A_419 : vector<16xi32>
    %shift_left3A_421 = arith.constant 10 : i32
    %shift_left3A_422 = vector.broadcast %shift_left3A_421 : i32 to vector<16xi32>
    %shift_left3A_423 = arith.shli %shift_right_logical3A_420, %shift_left3A_422 : vector<16xi32>
    %add3A_424 = arith.addi %shift_left3A_417, %shift_left3A_423 : vector<16xi32>
    %and3A_425 = arith.constant 7 : i32
    %and3A_426 = vector.broadcast %and3A_425 : i32 to vector<16xi32>
    %and3A_427 = arith.andi %get3A_407, %and3A_426 : vector<16xi32>
    %shift_left3A_428 = arith.constant 7 : i32
    %shift_left3A_429 = vector.broadcast %shift_left3A_428 : i32 to vector<16xi32>
    %shift_left3A_430 = arith.shli %and3A_427, %shift_left3A_429 : vector<16xi32>
    %add3A_431 = arith.addi %add3A_424, %shift_left3A_430 : vector<16xi32>
    %and3A_432 = arith.constant 127 : i32
    %and3A_433 = vector.broadcast %and3A_432 : i32 to vector<16xi32>
    %and3A_434 = arith.andi %add3A_411, %and3A_433 : vector<16xi32>
    %add3A_435 = arith.addi %add3A_431, %and3A_434 : vector<16xi32>
    %swap3A_436 = arith.constant 1 : i32
    %swap3A_437 = arith.index_cast %swap3A_436 : i32 to index
    %swap3A_438 = arith.constant 48 : index
    %swap3A_439 = tpu.vector_load %arg6[%swap3A_437, %swap3A_438] {strides = array<i32>} : memref<4x128xi32, #tpu.memory_space<vmem>>, vector<1x16xi32>,
    %swap3A_440 = vector.shape_cast %swap3A_439 : vector<1x16xi32> to vector<16xi32>
    %swap3A_441 = vector.shape_cast %add3A_435 : vector<16xi32> to vector<1x16xi32>
    tpu.vector_store %arg6[%swap3A_437, %swap3A_438], %swap3A_441 {strides = array<i32>} : memref<4x128xi32, #tpu.memory_space<vmem>>, vector<1x16xi32>,
    %get3A_442 = arith.constant 192 : index
    %get3A_443 = tpu.vector_load %arg5[%get3A_442] {strides = array<i32>} : memref<512xi32, #tpu.memory_space<vmem>>, vector<16xi32>,
    %get3A_444 = vector.shape_cast %get3A_443 : vector<16xi32> to vector<16xi32>
    %add3A_445 = arith.constant 192 : i32
    %add3A_446 = arith.addi %mul3A_2, %add3A_445 : i32
    %add3A_447 = vector.broadcast %add3A_446 : i32 to vector<16xi32>
    %add3A_448 = arith.addi %add3A_447, %iota3A : vector<16xi32>
    %shift_right_logical3A_449 = arith.constant 3 : i32
    %shift_right_logical3A_450 = vector.broadcast %shift_right_logical3A_449 : i32 to vector<16xi32>
    %shift_right_logical3A_451 = arith.shrui %get3A_444, %shift_right_logical3A_450 : vector<16xi32>
    %shift_left3A_452 = arith.constant 17 : i32
    %shift_left3A_453 = vector.broadcast %shift_left3A_452 : i32 to vector<16xi32>
    %shift_left3A_454 = arith.shli %shift_right_logical3A_451, %shift_left3A_453 : vector<16xi32>
    %shift_right_logical3A_455 = arith.constant 7 : i32
    %shift_right_logical3A_456 = vector.broadcast %shift_right_logical3A_455 : i32 to vector<16xi32>
    %shift_right_logical3A_457 = arith.shrui %add3A_448, %shift_right_logical3A_456 : vector<16xi32>
    %shift_left3A_458 = arith.constant 10 : i32
    %shift_left3A_459 = vector.broadcast %shift_left3A_458 : i32 to vector<16xi32>
    %shift_left3A_460 = arith.shli %shift_right_logical3A_457, %shift_left3A_459 : vector<16xi32>
    %add3A_461 = arith.addi %shift_left3A_454, %shift_left3A_460 : vector<16xi32>
    %and3A_462 = arith.constant 7 : i32
    %and3A_463 = vector.broadcast %and3A_462 : i32 to vector<16xi32>
    %and3A_464 = arith.andi %get3A_444, %and3A_463 : vector<16xi32>
    %shift_left3A_465 = arith.constant 7 : i32
    %shift_left3A_466 = vector.broadcast %shift_left3A_465 : i32 to vector<16xi32>
    %shift_left3A_467 = arith.shli %and3A_464, %shift_left3A_466 : vector<16xi32>
    %add3A_468 = arith.addi %add3A_461, %shift_left3A_467 : vector<16xi32>
    %and3A_469 = arith.constant 127 : i32
    %and3A_470 = vector.broadcast %and3A_469 : i32 to vector<16xi32>
    %and3A_471 = arith.andi %add3A_448, %and3A_470 : vector<16xi32>
    %add3A_472 = arith.addi %add3A_468, %and3A_471 : vector<16xi32>
    %swap3A_473 = arith.constant 1 : i32
    %swap3A_474 = arith.index_cast %swap3A_473 : i32 to index
    %swap3A_475 = arith.constant 64 : index
    %swap3A_476 = tpu.vector_load %arg6[%swap3A_474, %swap3A_475] {strides = array<i32>} : memref<4x128xi32, #tpu.memory_space<vmem>>, vector<1x16xi32>,
    %swap3A_477 = vector.shape_cast %swap3A_476 : vector<1x16xi32> to vector<16xi32>
    %swap3A_478 = vector.shape_cast %add3A_472 : vector<16xi32> to vector<1x16xi32>
    tpu.vector_store %arg6[%swap3A_474, %swap3A_475], %swap3A_478 {strides = array<i32>} : memref<4x128xi32, #tpu.memory_space<vmem>>, vector<1x16xi32>,
    %get3A_479 = arith.constant 208 : index
    %get3A_480 = tpu.vector_load %arg5[%get3A_479] {strides = array<i32>} : memref<512xi32, #tpu.memory_space<vmem>>, vector<16xi32>,
    %get3A_481 = vector.shape_cast %get3A_480 : vector<16xi32> to vector<16xi32>
    %add3A_482 = arith.constant 208 : i32
    %add3A_483 = arith.addi %mul3A_2, %add3A_482 : i32
    %add3A_484 = vector.broadcast %add3A_483 : i32 to vector<16xi32>
    %add3A_485 = arith.addi %add3A_484, %iota3A : vector<16xi32>
    %shift_right_logical3A_486 = arith.constant 3 : i32
    %shift_right_logical3A_487 = vector.broadcast %shift_right_logical3A_486 : i32 to vector<16xi32>
    %shift_right_logical3A_488 = arith.shrui %get3A_481, %shift_right_logical3A_487 : vector<16xi32>
    %shift_left3A_489 = arith.constant 17 : i32
    %shift_left3A_490 = vector.broadcast %shift_left3A_489 : i32 to vector<16xi32>
    %shift_left3A_491 = arith.shli %shift_right_logical3A_488, %shift_left3A_490 : vector<16xi32>
    %shift_right_logical3A_492 = arith.constant 7 : i32
    %shift_right_logical3A_493 = vector.broadcast %shift_right_logical3A_492 : i32 to vector<16xi32>
    %shift_right_logical3A_494 = arith.shrui %add3A_485, %shift_right_logical3A_493 : vector<16xi32>
    %shift_left3A_495 = arith.constant 10 : i32
    %shift_left3A_496 = vector.broadcast %shift_left3A_495 : i32 to vector<16xi32>
    %shift_left3A_497 = arith.shli %shift_right_logical3A_494, %shift_left3A_496 : vector<16xi32>
    %add3A_498 = arith.addi %shift_left3A_491, %shift_left3A_497 : vector<16xi32>
    %and3A_499 = arith.constant 7 : i32
    %and3A_500 = vector.broadcast %and3A_499 : i32 to vector<16xi32>
    %and3A_501 = arith.andi %get3A_481, %and3A_500 : vector<16xi32>
    %shift_left3A_502 = arith.constant 7 : i32
    %shift_left3A_503 = vector.broadcast %shift_left3A_502 : i32 to vector<16xi32>
    %shift_left3A_504 = arith.shli %and3A_501, %shift_left3A_503 : vector<16xi32>
    %add3A_505 = arith.addi %add3A_498, %shift_left3A_504 : vector<16xi32>
    %and3A_506 = arith.constant 127 : i32
    %and3A_507 = vector.broadcast %and3A_506 : i32 to vector<16xi32>
    %and3A_508 = arith.andi %add3A_485, %and3A_507 : vector<16xi32>
    %add3A_509 = arith.addi %add3A_505, %and3A_508 : vector<16xi32>
    %swap3A_510 = arith.constant 1 : i32
    %swap3A_511 = arith.index_cast %swap3A_510 : i32 to index
    %swap3A_512 = arith.constant 80 : index
    %swap3A_513 = tpu.vector_load %arg6[%swap3A_511, %swap3A_512] {strides = array<i32>} : memref<4x128xi32, #tpu.memory_space<vmem>>, vector<1x16xi32>,
    %swap3A_514 = vector.shape_cast %swap3A_513 : vector<1x16xi32> to vector<16xi32>
    %swap3A_515 = vector.shape_cast %add3A_509 : vector<16xi32> to vector<1x16xi32>
    tpu.vector_store %arg6[%swap3A_511, %swap3A_512], %swap3A_515 {strides = array<i32>} : memref<4x128xi32, #tpu.memory_space<vmem>>, vector<1x16xi32>,
    %get3A_516 = arith.constant 224 : index
    %get3A_517 = tpu.vector_load %arg5[%get3A_516] {strides = array<i32>} : memref<512xi32, #tpu.memory_space<vmem>>, vector<16xi32>,
    %get3A_518 = vector.shape_cast %get3A_517 : vector<16xi32> to vector<16xi32>
    %add3A_519 = arith.constant 224 : i32
    %add3A_520 = arith.addi %mul3A_2, %add3A_519 : i32
    %add3A_521 = vector.broadcast %add3A_520 : i32 to vector<16xi32>
    %add3A_522 = arith.addi %add3A_521, %iota3A : vector<16xi32>
    %shift_right_logical3A_523 = arith.constant 3 : i32
    %shift_right_logical3A_524 = vector.broadcast %shift_right_logical3A_523 : i32 to vector<16xi32>
    %shift_right_logical3A_525 = arith.shrui %get3A_518, %shift_right_logical3A_524 : vector<16xi32>
    %shift_left3A_526 = arith.constant 17 : i32
    %shift_left3A_527 = vector.broadcast %shift_left3A_526 : i32 to vector<16xi32>
    %shift_left3A_528 = arith.shli %shift_right_logical3A_525, %shift_left3A_527 : vector<16xi32>
    %shift_right_logical3A_529 = arith.constant 7 : i32
    %shift_right_logical3A_530 = vector.broadcast %shift_right_logical3A_529 : i32 to vector<16xi32>
    %shift_right_logical3A_531 = arith.shrui %add3A_522, %shift_right_logical3A_530 : vector<16xi32>
    %shift_left3A_532 = arith.constant 10 : i32
    %shift_left3A_533 = vector.broadcast %shift_left3A_532 : i32 to vector<16xi32>
    %shift_left3A_534 = arith.shli %shift_right_logical3A_531, %shift_left3A_533 : vector<16xi32>
    %add3A_535 = arith.addi %shift_left3A_528, %shift_left3A_534 : vector<16xi32>
    %and3A_536 = arith.constant 7 : i32
    %and3A_537 = vector.broadcast %and3A_536 : i32 to vector<16xi32>
    %and3A_538 = arith.andi %get3A_518, %and3A_537 : vector<16xi32>
    %shift_left3A_539 = arith.constant 7 : i32
    %shift_left3A_540 = vector.broadcast %shift_left3A_539 : i32 to vector<16xi32>
    %shift_left3A_541 = arith.shli %and3A_538, %shift_left3A_540 : vector<16xi32>
    %add3A_542 = arith.addi %add3A_535, %shift_left3A_541 : vector<16xi32>
    %and3A_543 = arith.constant 127 : i32
    %and3A_544 = vector.broadcast %and3A_543 : i32 to vector<16xi32>
    %and3A_545 = arith.andi %add3A_522, %and3A_544 : vector<16xi32>
    %add3A_546 = arith.addi %add3A_542, %and3A_545 : vector<16xi32>
    %swap3A_547 = arith.constant 1 : i32
    %swap3A_548 = arith.index_cast %swap3A_547 : i32 to index
    %swap3A_549 = arith.constant 96 : index
    %swap3A_550 = tpu.vector_load %arg6[%swap3A_548, %swap3A_549] {strides = array<i32>} : memref<4x128xi32, #tpu.memory_space<vmem>>, vector<1x16xi32>,
    %swap3A_551 = vector.shape_cast %swap3A_550 : vector<1x16xi32> to vector<16xi32>
    %swap3A_552 = vector.shape_cast %add3A_546 : vector<16xi32> to vector<1x16xi32>
    tpu.vector_store %arg6[%swap3A_548, %swap3A_549], %swap3A_552 {strides = array<i32>} : memref<4x128xi32, #tpu.memory_space<vmem>>, vector<1x16xi32>,
    %get3A_553 = arith.constant 240 : index
    %get3A_554 = tpu.vector_load %arg5[%get3A_553] {strides = array<i32>} : memref<512xi32, #tpu.memory_space<vmem>>, vector<16xi32>,
    %get3A_555 = vector.shape_cast %get3A_554 : vector<16xi32> to vector<16xi32>
    %add3A_556 = arith.constant 240 : i32
    %add3A_557 = arith.addi %mul3A_2, %add3A_556 : i32
    %add3A_558 = vector.broadcast %add3A_557 : i32 to vector<16xi32>
    %add3A_559 = arith.addi %add3A_558, %iota3A : vector<16xi32>
    %shift_right_logical3A_560 = arith.constant 3 : i32
    %shift_right_logical3A_561 = vector.broadcast %shift_right_logical3A_560 : i32 to vector<16xi32>
    %shift_right_logical3A_562 = arith.shrui %get3A_555, %shift_right_logical3A_561 : vector<16xi32>
    %shift_left3A_563 = arith.constant 17 : i32
    %shift_left3A_564 = vector.broadcast %shift_left3A_563 : i32 to vector<16xi32>
    %shift_left3A_565 = arith.shli %shift_right_logical3A_562, %shift_left3A_564 : vector<16xi32>
    %shift_right_logical3A_566 = arith.constant 7 : i32
    %shift_right_logical3A_567 = vector.broadcast %shift_right_logical3A_566 : i32 to vector<16xi32>
    %shift_right_logical3A_568 = arith.shrui %add3A_559, %shift_right_logical3A_567 : vector<16xi32>
    %shift_left3A_569 = arith.constant 10 : i32
    %shift_left3A_570 = vector.broadcast %shift_left3A_569 : i32 to vector<16xi32>
    %shift_left3A_571 = arith.shli %shift_right_logical3A_568, %shift_left3A_570 : vector<16xi32>
    %add3A_572 = arith.addi %shift_left3A_565, %shift_left3A_571 : vector<16xi32>
    %and3A_573 = arith.constant 7 : i32
    %and3A_574 = vector.broadcast %and3A_573 : i32 to vector<16xi32>
    %and3A_575 = arith.andi %get3A_555, %and3A_574 : vector<16xi32>
    %shift_left3A_576 = arith.constant 7 : i32
    %shift_left3A_577 = vector.broadcast %shift_left3A_576 : i32 to vector<16xi32>
    %shift_left3A_578 = arith.shli %and3A_575, %shift_left3A_577 : vector<16xi32>
    %add3A_579 = arith.addi %add3A_572, %shift_left3A_578 : vector<16xi32>
    %and3A_580 = arith.constant 127 : i32
    %and3A_581 = vector.broadcast %and3A_580 : i32 to vector<16xi32>
    %and3A_582 = arith.andi %add3A_559, %and3A_581 : vector<16xi32>
    %add3A_583 = arith.addi %add3A_579, %and3A_582 : vector<16xi32>
    %swap3A_584 = arith.constant 1 : i32
    %swap3A_585 = arith.index_cast %swap3A_584 : i32 to index
    %swap3A_586 = arith.constant 112 : index
    %swap3A_587 = tpu.vector_load %arg6[%swap3A_585, %swap3A_586] {strides = array<i32>} : memref<4x128xi32, #tpu.memory_space<vmem>>, vector<1x16xi32>,
    %swap3A_588 = vector.shape_cast %swap3A_587 : vector<1x16xi32> to vector<16xi32>
    %swap3A_589 = vector.shape_cast %add3A_583 : vector<16xi32> to vector<1x16xi32>
    tpu.vector_store %arg6[%swap3A_585, %swap3A_586], %swap3A_589 {strides = array<i32>} : memref<4x128xi32, #tpu.memory_space<vmem>>, vector<1x16xi32>,
    %get3A_590 = arith.constant 256 : index
    %get3A_591 = tpu.vector_load %arg5[%get3A_590] {strides = array<i32>} : memref<512xi32, #tpu.memory_space<vmem>>, vector<16xi32>,
    %get3A_592 = vector.shape_cast %get3A_591 : vector<16xi32> to vector<16xi32>
    %add3A_593 = arith.constant 256 : i32
    %add3A_594 = arith.addi %mul3A_2, %add3A_593 : i32
    %add3A_595 = vector.broadcast %add3A_594 : i32 to vector<16xi32>
    %add3A_596 = arith.addi %add3A_595, %iota3A : vector<16xi32>
    %shift_right_logical3A_597 = arith.constant 3 : i32
    %shift_right_logical3A_598 = vector.broadcast %shift_right_logical3A_597 : i32 to vector<16xi32>
    %shift_right_logical3A_599 = arith.shrui %get3A_592, %shift_right_logical3A_598 : vector<16xi32>
    %shift_left3A_600 = arith.constant 17 : i32
    %shift_left3A_601 = vector.broadcast %shift_left3A_600 : i32 to vector<16xi32>
    %shift_left3A_602 = arith.shli %shift_right_logical3A_599, %shift_left3A_601 : vector<16xi32>
    %shift_right_logical3A_603 = arith.constant 7 : i32
    %shift_right_logical3A_604 = vector.broadcast %shift_right_logical3A_603 : i32 to vector<16xi32>
    %shift_right_logical3A_605 = arith.shrui %add3A_596, %shift_right_logical3A_604 : vector<16xi32>
    %shift_left3A_606 = arith.constant 10 : i32
    %shift_left3A_607 = vector.broadcast %shift_left3A_606 : i32 to vector<16xi32>
    %shift_left3A_608 = arith.shli %shift_right_logical3A_605, %shift_left3A_607 : vector<16xi32>
    %add3A_609 = arith.addi %shift_left3A_602, %shift_left3A_608 : vector<16xi32>
    %and3A_610 = arith.constant 7 : i32
    %and3A_611 = vector.broadcast %and3A_610 : i32 to vector<16xi32>
    %and3A_612 = arith.andi %get3A_592, %and3A_611 : vector<16xi32>
    %shift_left3A_613 = arith.constant 7 : i32
    %shift_left3A_614 = vector.broadcast %shift_left3A_613 : i32 to vector<16xi32>
    %shift_left3A_615 = arith.shli %and3A_612, %shift_left3A_614 : vector<16xi32>
    %add3A_616 = arith.addi %add3A_609, %shift_left3A_615 : vector<16xi32>
    %and3A_617 = arith.constant 127 : i32
    %and3A_618 = vector.broadcast %and3A_617 : i32 to vector<16xi32>
    %and3A_619 = arith.andi %add3A_596, %and3A_618 : vector<16xi32>
    %add3A_620 = arith.addi %add3A_616, %and3A_619 : vector<16xi32>
    %swap3A_621 = arith.constant 2 : i32
    %swap3A_622 = arith.index_cast %swap3A_621 : i32 to index
    %swap3A_623 = arith.constant 0 : index
    %swap3A_624 = tpu.vector_load %arg6[%swap3A_622, %swap3A_623] {strides = array<i32>} : memref<4x128xi32, #tpu.memory_space<vmem>>, vector<1x16xi32>,
    %swap3A_625 = vector.shape_cast %swap3A_624 : vector<1x16xi32> to vector<16xi32>
    %swap3A_626 = vector.shape_cast %add3A_620 : vector<16xi32> to vector<1x16xi32>
    tpu.vector_store %arg6[%swap3A_622, %swap3A_623], %swap3A_626 {strides = array<i32>} : memref<4x128xi32, #tpu.memory_space<vmem>>, vector<1x16xi32>,
    %get3A_627 = arith.constant 272 : index
    %get3A_628 = tpu.vector_load %arg5[%get3A_627] {strides = array<i32>} : memref<512xi32, #tpu.memory_space<vmem>>, vector<16xi32>,
    %get3A_629 = vector.shape_cast %get3A_628 : vector<16xi32> to vector<16xi32>
    %add3A_630 = arith.constant 272 : i32
    %add3A_631 = arith.addi %mul3A_2, %add3A_630 : i32
    %add3A_632 = vector.broadcast %add3A_631 : i32 to vector<16xi32>
    %add3A_633 = arith.addi %add3A_632, %iota3A : vector<16xi32>
    %shift_right_logical3A_634 = arith.constant 3 : i32
    %shift_right_logical3A_635 = vector.broadcast %shift_right_logical3A_634 : i32 to vector<16xi32>
    %shift_right_logical3A_636 = arith.shrui %get3A_629, %shift_right_logical3A_635 : vector<16xi32>
    %shift_left3A_637 = arith.constant 17 : i32
    %shift_left3A_638 = vector.broadcast %shift_left3A_637 : i32 to vector<16xi32>
    %shift_left3A_639 = arith.shli %shift_right_logical3A_636, %shift_left3A_638 : vector<16xi32>
    %shift_right_logical3A_640 = arith.constant 7 : i32
    %shift_right_logical3A_641 = vector.broadcast %shift_right_logical3A_640 : i32 to vector<16xi32>
    %shift_right_logical3A_642 = arith.shrui %add3A_633, %shift_right_logical3A_641 : vector<16xi32>
    %shift_left3A_643 = arith.constant 10 : i32
    %shift_left3A_644 = vector.broadcast %shift_left3A_643 : i32 to vector<16xi32>
    %shift_left3A_645 = arith.shli %shift_right_logical3A_642, %shift_left3A_644 : vector<16xi32>
    %add3A_646 = arith.addi %shift_left3A_639, %shift_left3A_645 : vector<16xi32>
    %and3A_647 = arith.constant 7 : i32
    %and3A_648 = vector.broadcast %and3A_647 : i32 to vector<16xi32>
    %and3A_649 = arith.andi %get3A_629, %and3A_648 : vector<16xi32>
    %shift_left3A_650 = arith.constant 7 : i32
    %shift_left3A_651 = vector.broadcast %shift_left3A_650 : i32 to vector<16xi32>
    %shift_left3A_652 = arith.shli %and3A_649, %shift_left3A_651 : vector<16xi32>
    %add3A_653 = arith.addi %add3A_646, %shift_left3A_652 : vector<16xi32>
    %and3A_654 = arith.constant 127 : i32
    %and3A_655 = vector.broadcast %and3A_654 : i32 to vector<16xi32>
    %and3A_656 = arith.andi %add3A_633, %and3A_655 : vector<16xi32>
    %add3A_657 = arith.addi %add3A_653, %and3A_656 : vector<16xi32>
    %swap3A_658 = arith.constant 2 : i32
    %swap3A_659 = arith.index_cast %swap3A_658 : i32 to index
    %swap3A_660 = arith.constant 16 : index
    %swap3A_661 = tpu.vector_load %arg6[%swap3A_659, %swap3A_660] {strides = array<i32>} : memref<4x128xi32, #tpu.memory_space<vmem>>, vector<1x16xi32>,
    %swap3A_662 = vector.shape_cast %swap3A_661 : vector<1x16xi32> to vector<16xi32>
    %swap3A_663 = vector.shape_cast %add3A_657 : vector<16xi32> to vector<1x16xi32>
    tpu.vector_store %arg6[%swap3A_659, %swap3A_660], %swap3A_663 {strides = array<i32>} : memref<4x128xi32, #tpu.memory_space<vmem>>, vector<1x16xi32>,
    %get3A_664 = arith.constant 288 : index
    %get3A_665 = tpu.vector_load %arg5[%get3A_664] {strides = array<i32>} : memref<512xi32, #tpu.memory_space<vmem>>, vector<16xi32>,
    %get3A_666 = vector.shape_cast %get3A_665 : vector<16xi32> to vector<16xi32>
    %add3A_667 = arith.constant 288 : i32
    %add3A_668 = arith.addi %mul3A_2, %add3A_667 : i32
    %add3A_669 = vector.broadcast %add3A_668 : i32 to vector<16xi32>
    %add3A_670 = arith.addi %add3A_669, %iota3A : vector<16xi32>
    %shift_right_logical3A_671 = arith.constant 3 : i32
    %shift_right_logical3A_672 = vector.broadcast %shift_right_logical3A_671 : i32 to vector<16xi32>
    %shift_right_logical3A_673 = arith.shrui %get3A_666, %shift_right_logical3A_672 : vector<16xi32>
    %shift_left3A_674 = arith.constant 17 : i32
    %shift_left3A_675 = vector.broadcast %shift_left3A_674 : i32 to vector<16xi32>
    %shift_left3A_676 = arith.shli %shift_right_logical3A_673, %shift_left3A_675 : vector<16xi32>
    %shift_right_logical3A_677 = arith.constant 7 : i32
    %shift_right_logical3A_678 = vector.broadcast %shift_right_logical3A_677 : i32 to vector<16xi32>
    %shift_right_logical3A_679 = arith.shrui %add3A_670, %shift_right_logical3A_678 : vector<16xi32>
    %shift_left3A_680 = arith.constant 10 : i32
    %shift_left3A_681 = vector.broadcast %shift_left3A_680 : i32 to vector<16xi32>
    %shift_left3A_682 = arith.shli %shift_right_logical3A_679, %shift_left3A_681 : vector<16xi32>
    %add3A_683 = arith.addi %shift_left3A_676, %shift_left3A_682 : vector<16xi32>
    %and3A_684 = arith.constant 7 : i32
    %and3A_685 = vector.broadcast %and3A_684 : i32 to vector<16xi32>
    %and3A_686 = arith.andi %get3A_666, %and3A_685 : vector<16xi32>
    %shift_left3A_687 = arith.constant 7 : i32
    %shift_left3A_688 = vector.broadcast %shift_left3A_687 : i32 to vector<16xi32>
    %shift_left3A_689 = arith.shli %and3A_686, %shift_left3A_688 : vector<16xi32>
    %add3A_690 = arith.addi %add3A_683, %shift_left3A_689 : vector<16xi32>
    %and3A_691 = arith.constant 127 : i32
    %and3A_692 = vector.broadcast %and3A_691 : i32 to vector<16xi32>
    %and3A_693 = arith.andi %add3A_670, %and3A_692 : vector<16xi32>
    %add3A_694 = arith.addi %add3A_690, %and3A_693 : vector<16xi32>
    %swap3A_695 = arith.constant 2 : i32
    %swap3A_696 = arith.index_cast %swap3A_695 : i32 to index
    %swap3A_697 = arith.constant 32 : index
    %swap3A_698 = tpu.vector_load %arg6[%swap3A_696, %swap3A_697] {strides = array<i32>} : memref<4x128xi32, #tpu.memory_space<vmem>>, vector<1x16xi32>,
    %swap3A_699 = vector.shape_cast %swap3A_698 : vector<1x16xi32> to vector<16xi32>
    %swap3A_700 = vector.shape_cast %add3A_694 : vector<16xi32> to vector<1x16xi32>
    tpu.vector_store %arg6[%swap3A_696, %swap3A_697], %swap3A_700 {strides = array<i32>} : memref<4x128xi32, #tpu.memory_space<vmem>>, vector<1x16xi32>,
    %get3A_701 = arith.constant 304 : index
    %get3A_702 = tpu.vector_load %arg5[%get3A_701] {strides = array<i32>} : memref<512xi32, #tpu.memory_space<vmem>>, vector<16xi32>,
    %get3A_703 = vector.shape_cast %get3A_702 : vector<16xi32> to vector<16xi32>
    %add3A_704 = arith.constant 304 : i32
    %add3A_705 = arith.addi %mul3A_2, %add3A_704 : i32
    %add3A_706 = vector.broadcast %add3A_705 : i32 to vector<16xi32>
    %add3A_707 = arith.addi %add3A_706, %iota3A : vector<16xi32>
    %shift_right_logical3A_708 = arith.constant 3 : i32
    %shift_right_logical3A_709 = vector.broadcast %shift_right_logical3A_708 : i32 to vector<16xi32>
    %shift_right_logical3A_710 = arith.shrui %get3A_703, %shift_right_logical3A_709 : vector<16xi32>
    %shift_left3A_711 = arith.constant 17 : i32
    %shift_left3A_712 = vector.broadcast %shift_left3A_711 : i32 to vector<16xi32>
    %shift_left3A_713 = arith.shli %shift_right_logical3A_710, %shift_left3A_712 : vector<16xi32>
    %shift_right_logical3A_714 = arith.constant 7 : i32
    %shift_right_logical3A_715 = vector.broadcast %shift_right_logical3A_714 : i32 to vector<16xi32>
    %shift_right_logical3A_716 = arith.shrui %add3A_707, %shift_right_logical3A_715 : vector<16xi32>
    %shift_left3A_717 = arith.constant 10 : i32
    %shift_left3A_718 = vector.broadcast %shift_left3A_717 : i32 to vector<16xi32>
    %shift_left3A_719 = arith.shli %shift_right_logical3A_716, %shift_left3A_718 : vector<16xi32>
    %add3A_720 = arith.addi %shift_left3A_713, %shift_left3A_719 : vector<16xi32>
    %and3A_721 = arith.constant 7 : i32
    %and3A_722 = vector.broadcast %and3A_721 : i32 to vector<16xi32>
    %and3A_723 = arith.andi %get3A_703, %and3A_722 : vector<16xi32>
    %shift_left3A_724 = arith.constant 7 : i32
    %shift_left3A_725 = vector.broadcast %shift_left3A_724 : i32 to vector<16xi32>
    %shift_left3A_726 = arith.shli %and3A_723, %shift_left3A_725 : vector<16xi32>
    %add3A_727 = arith.addi %add3A_720, %shift_left3A_726 : vector<16xi32>
    %and3A_728 = arith.constant 127 : i32
    %and3A_729 = vector.broadcast %and3A_728 : i32 to vector<16xi32>
    %and3A_730 = arith.andi %add3A_707, %and3A_729 : vector<16xi32>
    %add3A_731 = arith.addi %add3A_727, %and3A_730 : vector<16xi32>
    %swap3A_732 = arith.constant 2 : i32
    %swap3A_733 = arith.index_cast %swap3A_732 : i32 to index
    %swap3A_734 = arith.constant 48 : index
    %swap3A_735 = tpu.vector_load %arg6[%swap3A_733, %swap3A_734] {strides = array<i32>} : memref<4x128xi32, #tpu.memory_space<vmem>>, vector<1x16xi32>,
    %swap3A_736 = vector.shape_cast %swap3A_735 : vector<1x16xi32> to vector<16xi32>
    %swap3A_737 = vector.shape_cast %add3A_731 : vector<16xi32> to vector<1x16xi32>
    tpu.vector_store %arg6[%swap3A_733, %swap3A_734], %swap3A_737 {strides = array<i32>} : memref<4x128xi32, #tpu.memory_space<vmem>>, vector<1x16xi32>,
    %get3A_738 = arith.constant 320 : index
    %get3A_739 = tpu.vector_load %arg5[%get3A_738] {strides = array<i32>} : memref<512xi32, #tpu.memory_space<vmem>>, vector<16xi32>,
    %get3A_740 = vector.shape_cast %get3A_739 : vector<16xi32> to vector<16xi32>
    %add3A_741 = arith.constant 320 : i32
    %add3A_742 = arith.addi %mul3A_2, %add3A_741 : i32
    %add3A_743 = vector.broadcast %add3A_742 : i32 to vector<16xi32>
    %add3A_744 = arith.addi %add3A_743, %iota3A : vector<16xi32>
    %shift_right_logical3A_745 = arith.constant 3 : i32
    %shift_right_logical3A_746 = vector.broadcast %shift_right_logical3A_745 : i32 to vector<16xi32>
    %shift_right_logical3A_747 = arith.shrui %get3A_740, %shift_right_logical3A_746 : vector<16xi32>
    %shift_left3A_748 = arith.constant 17 : i32
    %shift_left3A_749 = vector.broadcast %shift_left3A_748 : i32 to vector<16xi32>
    %shift_left3A_750 = arith.shli %shift_right_logical3A_747, %shift_left3A_749 : vector<16xi32>
    %shift_right_logical3A_751 = arith.constant 7 : i32
    %shift_right_logical3A_752 = vector.broadcast %shift_right_logical3A_751 : i32 to vector<16xi32>
    %shift_right_logical3A_753 = arith.shrui %add3A_744, %shift_right_logical3A_752 : vector<16xi32>
    %shift_left3A_754 = arith.constant 10 : i32
    %shift_left3A_755 = vector.broadcast %shift_left3A_754 : i32 to vector<16xi32>
    %shift_left3A_756 = arith.shli %shift_right_logical3A_753, %shift_left3A_755 : vector<16xi32>
    %add3A_757 = arith.addi %shift_left3A_750, %shift_left3A_756 : vector<16xi32>
    %and3A_758 = arith.constant 7 : i32
    %and3A_759 = vector.broadcast %and3A_758 : i32 to vector<16xi32>
    %and3A_760 = arith.andi %get3A_740, %and3A_759 : vector<16xi32>
    %shift_left3A_761 = arith.constant 7 : i32
    %shift_left3A_762 = vector.broadcast %shift_left3A_761 : i32 to vector<16xi32>
    %shift_left3A_763 = arith.shli %and3A_760, %shift_left3A_762 : vector<16xi32>
    %add3A_764 = arith.addi %add3A_757, %shift_left3A_763 : vector<16xi32>
    %and3A_765 = arith.constant 127 : i32
    %and3A_766 = vector.broadcast %and3A_765 : i32 to vector<16xi32>
    %and3A_767 = arith.andi %add3A_744, %and3A_766 : vector<16xi32>
    %add3A_768 = arith.addi %add3A_764, %and3A_767 : vector<16xi32>
    %swap3A_769 = arith.constant 2 : i32
    %swap3A_770 = arith.index_cast %swap3A_769 : i32 to index
    %swap3A_771 = arith.constant 64 : index
    %swap3A_772 = tpu.vector_load %arg6[%swap3A_770, %swap3A_771] {strides = array<i32>} : memref<4x128xi32, #tpu.memory_space<vmem>>, vector<1x16xi32>,
    %swap3A_773 = vector.shape_cast %swap3A_772 : vector<1x16xi32> to vector<16xi32>
    %swap3A_774 = vector.shape_cast %add3A_768 : vector<16xi32> to vector<1x16xi32>
    tpu.vector_store %arg6[%swap3A_770, %swap3A_771], %swap3A_774 {strides = array<i32>} : memref<4x128xi32, #tpu.memory_space<vmem>>, vector<1x16xi32>,
    %get3A_775 = arith.constant 336 : index
    %get3A_776 = tpu.vector_load %arg5[%get3A_775] {strides = array<i32>} : memref<512xi32, #tpu.memory_space<vmem>>, vector<16xi32>,
    %get3A_777 = vector.shape_cast %get3A_776 : vector<16xi32> to vector<16xi32>
    %add3A_778 = arith.constant 336 : i32
    %add3A_779 = arith.addi %mul3A_2, %add3A_778 : i32
    %add3A_780 = vector.broadcast %add3A_779 : i32 to vector<16xi32>
    %add3A_781 = arith.addi %add3A_780, %iota3A : vector<16xi32>
    %shift_right_logical3A_782 = arith.constant 3 : i32
    %shift_right_logical3A_783 = vector.broadcast %shift_right_logical3A_782 : i32 to vector<16xi32>
    %shift_right_logical3A_784 = arith.shrui %get3A_777, %shift_right_logical3A_783 : vector<16xi32>
    %shift_left3A_785 = arith.constant 17 : i32
    %shift_left3A_786 = vector.broadcast %shift_left3A_785 : i32 to vector<16xi32>
    %shift_left3A_787 = arith.shli %shift_right_logical3A_784, %shift_left3A_786 : vector<16xi32>
    %shift_right_logical3A_788 = arith.constant 7 : i32
    %shift_right_logical3A_789 = vector.broadcast %shift_right_logical3A_788 : i32 to vector<16xi32>
    %shift_right_logical3A_790 = arith.shrui %add3A_781, %shift_right_logical3A_789 : vector<16xi32>
    %shift_left3A_791 = arith.constant 10 : i32
    %shift_left3A_792 = vector.broadcast %shift_left3A_791 : i32 to vector<16xi32>
    %shift_left3A_793 = arith.shli %shift_right_logical3A_790, %shift_left3A_792 : vector<16xi32>
    %add3A_794 = arith.addi %shift_left3A_787, %shift_left3A_793 : vector<16xi32>
    %and3A_795 = arith.constant 7 : i32
    %and3A_796 = vector.broadcast %and3A_795 : i32 to vector<16xi32>
    %and3A_797 = arith.andi %get3A_777, %and3A_796 : vector<16xi32>
    %shift_left3A_798 = arith.constant 7 : i32
    %shift_left3A_799 = vector.broadcast %shift_left3A_798 : i32 to vector<16xi32>
    %shift_left3A_800 = arith.shli %and3A_797, %shift_left3A_799 : vector<16xi32>
    %add3A_801 = arith.addi %add3A_794, %shift_left3A_800 : vector<16xi32>
    %and3A_802 = arith.constant 127 : i32
    %and3A_803 = vector.broadcast %and3A_802 : i32 to vector<16xi32>
    %and3A_804 = arith.andi %add3A_781, %and3A_803 : vector<16xi32>
    %add3A_805 = arith.addi %add3A_801, %and3A_804 : vector<16xi32>
    %swap3A_806 = arith.constant 2 : i32
    %swap3A_807 = arith.index_cast %swap3A_806 : i32 to index
    %swap3A_808 = arith.constant 80 : index
    %swap3A_809 = tpu.vector_load %arg6[%swap3A_807, %swap3A_808] {strides = array<i32>} : memref<4x128xi32, #tpu.memory_space<vmem>>, vector<1x16xi32>,
    %swap3A_810 = vector.shape_cast %swap3A_809 : vector<1x16xi32> to vector<16xi32>
    %swap3A_811 = vector.shape_cast %add3A_805 : vector<16xi32> to vector<1x16xi32>
    tpu.vector_store %arg6[%swap3A_807, %swap3A_808], %swap3A_811 {strides = array<i32>} : memref<4x128xi32, #tpu.memory_space<vmem>>, vector<1x16xi32>,
    %get3A_812 = arith.constant 352 : index
    %get3A_813 = tpu.vector_load %arg5[%get3A_812] {strides = array<i32>} : memref<512xi32, #tpu.memory_space<vmem>>, vector<16xi32>,
    %get3A_814 = vector.shape_cast %get3A_813 : vector<16xi32> to vector<16xi32>
    %add3A_815 = arith.constant 352 : i32
    %add3A_816 = arith.addi %mul3A_2, %add3A_815 : i32
    %add3A_817 = vector.broadcast %add3A_816 : i32 to vector<16xi32>
    %add3A_818 = arith.addi %add3A_817, %iota3A : vector<16xi32>
    %shift_right_logical3A_819 = arith.constant 3 : i32
    %shift_right_logical3A_820 = vector.broadcast %shift_right_logical3A_819 : i32 to vector<16xi32>
    %shift_right_logical3A_821 = arith.shrui %get3A_814, %shift_right_logical3A_820 : vector<16xi32>
    %shift_left3A_822 = arith.constant 17 : i32
    %shift_left3A_823 = vector.broadcast %shift_left3A_822 : i32 to vector<16xi32>
    %shift_left3A_824 = arith.shli %shift_right_logical3A_821, %shift_left3A_823 : vector<16xi32>
    %shift_right_logical3A_825 = arith.constant 7 : i32
    %shift_right_logical3A_826 = vector.broadcast %shift_right_logical3A_825 : i32 to vector<16xi32>
    %shift_right_logical3A_827 = arith.shrui %add3A_818, %shift_right_logical3A_826 : vector<16xi32>
    %shift_left3A_828 = arith.constant 10 : i32
    %shift_left3A_829 = vector.broadcast %shift_left3A_828 : i32 to vector<16xi32>
    %shift_left3A_830 = arith.shli %shift_right_logical3A_827, %shift_left3A_829 : vector<16xi32>
    %add3A_831 = arith.addi %shift_left3A_824, %shift_left3A_830 : vector<16xi32>
    %and3A_832 = arith.constant 7 : i32
    %and3A_833 = vector.broadcast %and3A_832 : i32 to vector<16xi32>
    %and3A_834 = arith.andi %get3A_814, %and3A_833 : vector<16xi32>
    %shift_left3A_835 = arith.constant 7 : i32
    %shift_left3A_836 = vector.broadcast %shift_left3A_835 : i32 to vector<16xi32>
    %shift_left3A_837 = arith.shli %and3A_834, %shift_left3A_836 : vector<16xi32>
    %add3A_838 = arith.addi %add3A_831, %shift_left3A_837 : vector<16xi32>
    %and3A_839 = arith.constant 127 : i32
    %and3A_840 = vector.broadcast %and3A_839 : i32 to vector<16xi32>
    %and3A_841 = arith.andi %add3A_818, %and3A_840 : vector<16xi32>
    %add3A_842 = arith.addi %add3A_838, %and3A_841 : vector<16xi32>
    %swap3A_843 = arith.constant 2 : i32
    %swap3A_844 = arith.index_cast %swap3A_843 : i32 to index
    %swap3A_845 = arith.constant 96 : index
    %swap3A_846 = tpu.vector_load %arg6[%swap3A_844, %swap3A_845] {strides = array<i32>} : memref<4x128xi32, #tpu.memory_space<vmem>>, vector<1x16xi32>,
    %swap3A_847 = vector.shape_cast %swap3A_846 : vector<1x16xi32> to vector<16xi32>
    %swap3A_848 = vector.shape_cast %add3A_842 : vector<16xi32> to vector<1x16xi32>
    tpu.vector_store %arg6[%swap3A_844, %swap3A_845], %swap3A_848 {strides = array<i32>} : memref<4x128xi32, #tpu.memory_space<vmem>>, vector<1x16xi32>,
    %get3A_849 = arith.constant 368 : index
    %get3A_850 = tpu.vector_load %arg5[%get3A_849] {strides = array<i32>} : memref<512xi32, #tpu.memory_space<vmem>>, vector<16xi32>,
    %get3A_851 = vector.shape_cast %get3A_850 : vector<16xi32> to vector<16xi32>
    %add3A_852 = arith.constant 368 : i32
    %add3A_853 = arith.addi %mul3A_2, %add3A_852 : i32
    %add3A_854 = vector.broadcast %add3A_853 : i32 to vector<16xi32>
    %add3A_855 = arith.addi %add3A_854, %iota3A : vector<16xi32>
    %shift_right_logical3A_856 = arith.constant 3 : i32
    %shift_right_logical3A_857 = vector.broadcast %shift_right_logical3A_856 : i32 to vector<16xi32>
    %shift_right_logical3A_858 = arith.shrui %get3A_851, %shift_right_logical3A_857 : vector<16xi32>
    %shift_left3A_859 = arith.constant 17 : i32
    %shift_left3A_860 = vector.broadcast %shift_left3A_859 : i32 to vector<16xi32>
    %shift_left3A_861 = arith.shli %shift_right_logical3A_858, %shift_left3A_860 : vector<16xi32>
    %shift_right_logical3A_862 = arith.constant 7 : i32
    %shift_right_logical3A_863 = vector.broadcast %shift_right_logical3A_862 : i32 to vector<16xi32>
    %shift_right_logical3A_864 = arith.shrui %add3A_855, %shift_right_logical3A_863 : vector<16xi32>
    %shift_left3A_865 = arith.constant 10 : i32
    %shift_left3A_866 = vector.broadcast %shift_left3A_865 : i32 to vector<16xi32>
    %shift_left3A_867 = arith.shli %shift_right_logical3A_864, %shift_left3A_866 : vector<16xi32>
    %add3A_868 = arith.addi %shift_left3A_861, %shift_left3A_867 : vector<16xi32>
    %and3A_869 = arith.constant 7 : i32
    %and3A_870 = vector.broadcast %and3A_869 : i32 to vector<16xi32>
    %and3A_871 = arith.andi %get3A_851, %and3A_870 : vector<16xi32>
    %shift_left3A_872 = arith.constant 7 : i32
    %shift_left3A_873 = vector.broadcast %shift_left3A_872 : i32 to vector<16xi32>
    %shift_left3A_874 = arith.shli %and3A_871, %shift_left3A_873 : vector<16xi32>
    %add3A_875 = arith.addi %add3A_868, %shift_left3A_874 : vector<16xi32>
    %and3A_876 = arith.constant 127 : i32
    %and3A_877 = vector.broadcast %and3A_876 : i32 to vector<16xi32>
    %and3A_878 = arith.andi %add3A_855, %and3A_877 : vector<16xi32>
    %add3A_879 = arith.addi %add3A_875, %and3A_878 : vector<16xi32>
    %swap3A_880 = arith.constant 2 : i32
    %swap3A_881 = arith.index_cast %swap3A_880 : i32 to index
    %swap3A_882 = arith.constant 112 : index
    %swap3A_883 = tpu.vector_load %arg6[%swap3A_881, %swap3A_882] {strides = array<i32>} : memref<4x128xi32, #tpu.memory_space<vmem>>, vector<1x16xi32>,
    %swap3A_884 = vector.shape_cast %swap3A_883 : vector<1x16xi32> to vector<16xi32>
    %swap3A_885 = vector.shape_cast %add3A_879 : vector<16xi32> to vector<1x16xi32>
    tpu.vector_store %arg6[%swap3A_881, %swap3A_882], %swap3A_885 {strides = array<i32>} : memref<4x128xi32, #tpu.memory_space<vmem>>, vector<1x16xi32>,
    %get3A_886 = arith.constant 384 : index
    %get3A_887 = tpu.vector_load %arg5[%get3A_886] {strides = array<i32>} : memref<512xi32, #tpu.memory_space<vmem>>, vector<16xi32>,
    %get3A_888 = vector.shape_cast %get3A_887 : vector<16xi32> to vector<16xi32>
    %add3A_889 = arith.constant 384 : i32
    %add3A_890 = arith.addi %mul3A_2, %add3A_889 : i32
    %add3A_891 = vector.broadcast %add3A_890 : i32 to vector<16xi32>
    %add3A_892 = arith.addi %add3A_891, %iota3A : vector<16xi32>
    %shift_right_logical3A_893 = arith.constant 3 : i32
    %shift_right_logical3A_894 = vector.broadcast %shift_right_logical3A_893 : i32 to vector<16xi32>
    %shift_right_logical3A_895 = arith.shrui %get3A_888, %shift_right_logical3A_894 : vector<16xi32>
    %shift_left3A_896 = arith.constant 17 : i32
    %shift_left3A_897 = vector.broadcast %shift_left3A_896 : i32 to vector<16xi32>
    %shift_left3A_898 = arith.shli %shift_right_logical3A_895, %shift_left3A_897 : vector<16xi32>
    %shift_right_logical3A_899 = arith.constant 7 : i32
    %shift_right_logical3A_900 = vector.broadcast %shift_right_logical3A_899 : i32 to vector<16xi32>
    %shift_right_logical3A_901 = arith.shrui %add3A_892, %shift_right_logical3A_900 : vector<16xi32>
    %shift_left3A_902 = arith.constant 10 : i32
    %shift_left3A_903 = vector.broadcast %shift_left3A_902 : i32 to vector<16xi32>
    %shift_left3A_904 = arith.shli %shift_right_logical3A_901, %shift_left3A_903 : vector<16xi32>
    %add3A_905 = arith.addi %shift_left3A_898, %shift_left3A_904 : vector<16xi32>
    %and3A_906 = arith.constant 7 : i32
    %and3A_907 = vector.broadcast %and3A_906 : i32 to vector<16xi32>
    %and3A_908 = arith.andi %get3A_888, %and3A_907 : vector<16xi32>
    %shift_left3A_909 = arith.constant 7 : i32
    %shift_left3A_910 = vector.broadcast %shift_left3A_909 : i32 to vector<16xi32>
    %shift_left3A_911 = arith.shli %and3A_908, %shift_left3A_910 : vector<16xi32>
    %add3A_912 = arith.addi %add3A_905, %shift_left3A_911 : vector<16xi32>
    %and3A_913 = arith.constant 127 : i32
    %and3A_914 = vector.broadcast %and3A_913 : i32 to vector<16xi32>
    %and3A_915 = arith.andi %add3A_892, %and3A_914 : vector<16xi32>
    %add3A_916 = arith.addi %add3A_912, %and3A_915 : vector<16xi32>
    %swap3A_917 = arith.constant 3 : i32
    %swap3A_918 = arith.index_cast %swap3A_917 : i32 to index
    %swap3A_919 = arith.constant 0 : index
    %swap3A_920 = tpu.vector_load %arg6[%swap3A_918, %swap3A_919] {strides = array<i32>} : memref<4x128xi32, #tpu.memory_space<vmem>>, vector<1x16xi32>,
    %swap3A_921 = vector.shape_cast %swap3A_920 : vector<1x16xi32> to vector<16xi32>
    %swap3A_922 = vector.shape_cast %add3A_916 : vector<16xi32> to vector<1x16xi32>
    tpu.vector_store %arg6[%swap3A_918, %swap3A_919], %swap3A_922 {strides = array<i32>} : memref<4x128xi32, #tpu.memory_space<vmem>>, vector<1x16xi32>,
    %get3A_923 = arith.constant 400 : index
    %get3A_924 = tpu.vector_load %arg5[%get3A_923] {strides = array<i32>} : memref<512xi32, #tpu.memory_space<vmem>>, vector<16xi32>,
    %get3A_925 = vector.shape_cast %get3A_924 : vector<16xi32> to vector<16xi32>
    %add3A_926 = arith.constant 400 : i32
    %add3A_927 = arith.addi %mul3A_2, %add3A_926 : i32
    %add3A_928 = vector.broadcast %add3A_927 : i32 to vector<16xi32>
    %add3A_929 = arith.addi %add3A_928, %iota3A : vector<16xi32>
    %shift_right_logical3A_930 = arith.constant 3 : i32
    %shift_right_logical3A_931 = vector.broadcast %shift_right_logical3A_930 : i32 to vector<16xi32>
    %shift_right_logical3A_932 = arith.shrui %get3A_925, %shift_right_logical3A_931 : vector<16xi32>
    %shift_left3A_933 = arith.constant 17 : i32
    %shift_left3A_934 = vector.broadcast %shift_left3A_933 : i32 to vector<16xi32>
    %shift_left3A_935 = arith.shli %shift_right_logical3A_932, %shift_left3A_934 : vector<16xi32>
    %shift_right_logical3A_936 = arith.constant 7 : i32
    %shift_right_logical3A_937 = vector.broadcast %shift_right_logical3A_936 : i32 to vector<16xi32>
    %shift_right_logical3A_938 = arith.shrui %add3A_929, %shift_right_logical3A_937 : vector<16xi32>
    %shift_left3A_939 = arith.constant 10 : i32
    %shift_left3A_940 = vector.broadcast %shift_left3A_939 : i32 to vector<16xi32>
    %shift_left3A_941 = arith.shli %shift_right_logical3A_938, %shift_left3A_940 : vector<16xi32>
    %add3A_942 = arith.addi %shift_left3A_935, %shift_left3A_941 : vector<16xi32>
    %and3A_943 = arith.constant 7 : i32
    %and3A_944 = vector.broadcast %and3A_943 : i32 to vector<16xi32>
    %and3A_945 = arith.andi %get3A_925, %and3A_944 : vector<16xi32>
    %shift_left3A_946 = arith.constant 7 : i32
    %shift_left3A_947 = vector.broadcast %shift_left3A_946 : i32 to vector<16xi32>
    %shift_left3A_948 = arith.shli %and3A_945, %shift_left3A_947 : vector<16xi32>
    %add3A_949 = arith.addi %add3A_942, %shift_left3A_948 : vector<16xi32>
    %and3A_950 = arith.constant 127 : i32
    %and3A_951 = vector.broadcast %and3A_950 : i32 to vector<16xi32>
    %and3A_952 = arith.andi %add3A_929, %and3A_951 : vector<16xi32>
    %add3A_953 = arith.addi %add3A_949, %and3A_952 : vector<16xi32>
    %swap3A_954 = arith.constant 3 : i32
    %swap3A_955 = arith.index_cast %swap3A_954 : i32 to index
    %swap3A_956 = arith.constant 16 : index
    %swap3A_957 = tpu.vector_load %arg6[%swap3A_955, %swap3A_956] {strides = array<i32>} : memref<4x128xi32, #tpu.memory_space<vmem>>, vector<1x16xi32>,
    %swap3A_958 = vector.shape_cast %swap3A_957 : vector<1x16xi32> to vector<16xi32>
    %swap3A_959 = vector.shape_cast %add3A_953 : vector<16xi32> to vector<1x16xi32>
    tpu.vector_store %arg6[%swap3A_955, %swap3A_956], %swap3A_959 {strides = array<i32>} : memref<4x128xi32, #tpu.memory_space<vmem>>, vector<1x16xi32>,
    %get3A_960 = arith.constant 416 : index
    %get3A_961 = tpu.vector_load %arg5[%get3A_960] {strides = array<i32>} : memref<512xi32, #tpu.memory_space<vmem>>, vector<16xi32>,
    %get3A_962 = vector.shape_cast %get3A_961 : vector<16xi32> to vector<16xi32>
    %add3A_963 = arith.constant 416 : i32
    %add3A_964 = arith.addi %mul3A_2, %add3A_963 : i32
    %add3A_965 = vector.broadcast %add3A_964 : i32 to vector<16xi32>
    %add3A_966 = arith.addi %add3A_965, %iota3A : vector<16xi32>
    %shift_right_logical3A_967 = arith.constant 3 : i32
    %shift_right_logical3A_968 = vector.broadcast %shift_right_logical3A_967 : i32 to vector<16xi32>
    %shift_right_logical3A_969 = arith.shrui %get3A_962, %shift_right_logical3A_968 : vector<16xi32>
    %shift_left3A_970 = arith.constant 17 : i32
    %shift_left3A_971 = vector.broadcast %shift_left3A_970 : i32 to vector<16xi32>
    %shift_left3A_972 = arith.shli %shift_right_logical3A_969, %shift_left3A_971 : vector<16xi32>
    %shift_right_logical3A_973 = arith.constant 7 : i32
    %shift_right_logical3A_974 = vector.broadcast %shift_right_logical3A_973 : i32 to vector<16xi32>
    %shift_right_logical3A_975 = arith.shrui %add3A_966, %shift_right_logical3A_974 : vector<16xi32>
    %shift_left3A_976 = arith.constant 10 : i32
    %shift_left3A_977 = vector.broadcast %shift_left3A_976 : i32 to vector<16xi32>
    %shift_left3A_978 = arith.shli %shift_right_logical3A_975, %shift_left3A_977 : vector<16xi32>
    %add3A_979 = arith.addi %shift_left3A_972, %shift_left3A_978 : vector<16xi32>
    %and3A_980 = arith.constant 7 : i32
    %and3A_981 = vector.broadcast %and3A_980 : i32 to vector<16xi32>
    %and3A_982 = arith.andi %get3A_962, %and3A_981 : vector<16xi32>
    %shift_left3A_983 = arith.constant 7 : i32
    %shift_left3A_984 = vector.broadcast %shift_left3A_983 : i32 to vector<16xi32>
    %shift_left3A_985 = arith.shli %and3A_982, %shift_left3A_984 : vector<16xi32>
    %add3A_986 = arith.addi %add3A_979, %shift_left3A_985 : vector<16xi32>
    %and3A_987 = arith.constant 127 : i32
    %and3A_988 = vector.broadcast %and3A_987 : i32 to vector<16xi32>
    %and3A_989 = arith.andi %add3A_966, %and3A_988 : vector<16xi32>
    %add3A_990 = arith.addi %add3A_986, %and3A_989 : vector<16xi32>
    %swap3A_991 = arith.constant 3 : i32
    %swap3A_992 = arith.index_cast %swap3A_991 : i32 to index
    %swap3A_993 = arith.constant 32 : index
    %swap3A_994 = tpu.vector_load %arg6[%swap3A_992, %swap3A_993] {strides = array<i32>} : memref<4x128xi32, #tpu.memory_space<vmem>>, vector<1x16xi32>,
    %swap3A_995 = vector.shape_cast %swap3A_994 : vector<1x16xi32> to vector<16xi32>
    %swap3A_996 = vector.shape_cast %add3A_990 : vector<16xi32> to vector<1x16xi32>
    tpu.vector_store %arg6[%swap3A_992, %swap3A_993], %swap3A_996 {strides = array<i32>} : memref<4x128xi32, #tpu.memory_space<vmem>>, vector<1x16xi32>,
    %get3A_997 = arith.constant 432 : index
    %get3A_998 = tpu.vector_load %arg5[%get3A_997] {strides = array<i32>} : memref<512xi32, #tpu.memory_space<vmem>>, vector<16xi32>,
    %get3A_999 = vector.shape_cast %get3A_998 : vector<16xi32> to vector<16xi32>
    %add3A_1000 = arith.constant 432 : i32
    %add3A_1001 = arith.addi %mul3A_2, %add3A_1000 : i32
    %add3A_1002 = vector.broadcast %add3A_1001 : i32 to vector<16xi32>
    %add3A_1003 = arith.addi %add3A_1002, %iota3A : vector<16xi32>
    %shift_right_logical3A_1004 = arith.constant 3 : i32
    %shift_right_logical3A_1005 = vector.broadcast %shift_right_logical3A_1004 : i32 to vector<16xi32>
    %shift_right_logical3A_1006 = arith.shrui %get3A_999, %shift_right_logical3A_1005 : vector<16xi32>
    %shift_left3A_1007 = arith.constant 17 : i32
    %shift_left3A_1008 = vector.broadcast %shift_left3A_1007 : i32 to vector<16xi32>
    %shift_left3A_1009 = arith.shli %shift_right_logical3A_1006, %shift_left3A_1008 : vector<16xi32>
    %shift_right_logical3A_1010 = arith.constant 7 : i32
    %shift_right_logical3A_1011 = vector.broadcast %shift_right_logical3A_1010 : i32 to vector<16xi32>
    %shift_right_logical3A_1012 = arith.shrui %add3A_1003, %shift_right_logical3A_1011 : vector<16xi32>
    %shift_left3A_1013 = arith.constant 10 : i32
    %shift_left3A_1014 = vector.broadcast %shift_left3A_1013 : i32 to vector<16xi32>
    %shift_left3A_1015 = arith.shli %shift_right_logical3A_1012, %shift_left3A_1014 : vector<16xi32>
    %add3A_1016 = arith.addi %shift_left3A_1009, %shift_left3A_1015 : vector<16xi32>
    %and3A_1017 = arith.constant 7 : i32
    %and3A_1018 = vector.broadcast %and3A_1017 : i32 to vector<16xi32>
    %and3A_1019 = arith.andi %get3A_999, %and3A_1018 : vector<16xi32>
    %shift_left3A_1020 = arith.constant 7 : i32
    %shift_left3A_1021 = vector.broadcast %shift_left3A_1020 : i32 to vector<16xi32>
    %shift_left3A_1022 = arith.shli %and3A_1019, %shift_left3A_1021 : vector<16xi32>
    %add3A_1023 = arith.addi %add3A_1016, %shift_left3A_1022 : vector<16xi32>
    %and3A_1024 = arith.constant 127 : i32
    %and3A_1025 = vector.broadcast %and3A_1024 : i32 to vector<16xi32>
    %and3A_1026 = arith.andi %add3A_1003, %and3A_1025 : vector<16xi32>
    %add3A_1027 = arith.addi %add3A_1023, %and3A_1026 : vector<16xi32>
    %swap3A_1028 = arith.constant 3 : i32
    %swap3A_1029 = arith.index_cast %swap3A_1028 : i32 to index
    %swap3A_1030 = arith.constant 48 : index
    %swap3A_1031 = tpu.vector_load %arg6[%swap3A_1029, %swap3A_1030] {strides = array<i32>} : memref<4x128xi32, #tpu.memory_space<vmem>>, vector<1x16xi32>,
    %swap3A_1032 = vector.shape_cast %swap3A_1031 : vector<1x16xi32> to vector<16xi32>
    %swap3A_1033 = vector.shape_cast %add3A_1027 : vector<16xi32> to vector<1x16xi32>
    tpu.vector_store %arg6[%swap3A_1029, %swap3A_1030], %swap3A_1033 {strides = array<i32>} : memref<4x128xi32, #tpu.memory_space<vmem>>, vector<1x16xi32>,
    %get3A_1034 = arith.constant 448 : index
    %get3A_1035 = tpu.vector_load %arg5[%get3A_1034] {strides = array<i32>} : memref<512xi32, #tpu.memory_space<vmem>>, vector<16xi32>,
    %get3A_1036 = vector.shape_cast %get3A_1035 : vector<16xi32> to vector<16xi32>
    %add3A_1037 = arith.constant 448 : i32
    %add3A_1038 = arith.addi %mul3A_2, %add3A_1037 : i32
    %add3A_1039 = vector.broadcast %add3A_1038 : i32 to vector<16xi32>
    %add3A_1040 = arith.addi %add3A_1039, %iota3A : vector<16xi32>
    %shift_right_logical3A_1041 = arith.constant 3 : i32
    %shift_right_logical3A_1042 = vector.broadcast %shift_right_logical3A_1041 : i32 to vector<16xi32>
    %shift_right_logical3A_1043 = arith.shrui %get3A_1036, %shift_right_logical3A_1042 : vector<16xi32>
    %shift_left3A_1044 = arith.constant 17 : i32
    %shift_left3A_1045 = vector.broadcast %shift_left3A_1044 : i32 to vector<16xi32>
    %shift_left3A_1046 = arith.shli %shift_right_logical3A_1043, %shift_left3A_1045 : vector<16xi32>
    %shift_right_logical3A_1047 = arith.constant 7 : i32
    %shift_right_logical3A_1048 = vector.broadcast %shift_right_logical3A_1047 : i32 to vector<16xi32>
    %shift_right_logical3A_1049 = arith.shrui %add3A_1040, %shift_right_logical3A_1048 : vector<16xi32>
    %shift_left3A_1050 = arith.constant 10 : i32
    %shift_left3A_1051 = vector.broadcast %shift_left3A_1050 : i32 to vector<16xi32>
    %shift_left3A_1052 = arith.shli %shift_right_logical3A_1049, %shift_left3A_1051 : vector<16xi32>
    %add3A_1053 = arith.addi %shift_left3A_1046, %shift_left3A_1052 : vector<16xi32>
    %and3A_1054 = arith.constant 7 : i32
    %and3A_1055 = vector.broadcast %and3A_1054 : i32 to vector<16xi32>
    %and3A_1056 = arith.andi %get3A_1036, %and3A_1055 : vector<16xi32>
    %shift_left3A_1057 = arith.constant 7 : i32
    %shift_left3A_1058 = vector.broadcast %shift_left3A_1057 : i32 to vector<16xi32>
    %shift_left3A_1059 = arith.shli %and3A_1056, %shift_left3A_1058 : vector<16xi32>
    %add3A_1060 = arith.addi %add3A_1053, %shift_left3A_1059 : vector<16xi32>
    %and3A_1061 = arith.constant 127 : i32
    %and3A_1062 = vector.broadcast %and3A_1061 : i32 to vector<16xi32>
    %and3A_1063 = arith.andi %add3A_1040, %and3A_1062 : vector<16xi32>
    %add3A_1064 = arith.addi %add3A_1060, %and3A_1063 : vector<16xi32>
    %swap3A_1065 = arith.constant 3 : i32
    %swap3A_1066 = arith.index_cast %swap3A_1065 : i32 to index
    %swap3A_1067 = arith.constant 64 : index
    %swap3A_1068 = tpu.vector_load %arg6[%swap3A_1066, %swap3A_1067] {strides = array<i32>} : memref<4x128xi32, #tpu.memory_space<vmem>>, vector<1x16xi32>,
    %swap3A_1069 = vector.shape_cast %swap3A_1068 : vector<1x16xi32> to vector<16xi32>
    %swap3A_1070 = vector.shape_cast %add3A_1064 : vector<16xi32> to vector<1x16xi32>
    tpu.vector_store %arg6[%swap3A_1066, %swap3A_1067], %swap3A_1070 {strides = array<i32>} : memref<4x128xi32, #tpu.memory_space<vmem>>, vector<1x16xi32>,
    %get3A_1071 = arith.constant 464 : index
    %get3A_1072 = tpu.vector_load %arg5[%get3A_1071] {strides = array<i32>} : memref<512xi32, #tpu.memory_space<vmem>>, vector<16xi32>,
    %get3A_1073 = vector.shape_cast %get3A_1072 : vector<16xi32> to vector<16xi32>
    %add3A_1074 = arith.constant 464 : i32
    %add3A_1075 = arith.addi %mul3A_2, %add3A_1074 : i32
    %add3A_1076 = vector.broadcast %add3A_1075 : i32 to vector<16xi32>
    %add3A_1077 = arith.addi %add3A_1076, %iota3A : vector<16xi32>
    %shift_right_logical3A_1078 = arith.constant 3 : i32
    %shift_right_logical3A_1079 = vector.broadcast %shift_right_logical3A_1078 : i32 to vector<16xi32>
    %shift_right_logical3A_1080 = arith.shrui %get3A_1073, %shift_right_logical3A_1079 : vector<16xi32>
    %shift_left3A_1081 = arith.constant 17 : i32
    %shift_left3A_1082 = vector.broadcast %shift_left3A_1081 : i32 to vector<16xi32>
    %shift_left3A_1083 = arith.shli %shift_right_logical3A_1080, %shift_left3A_1082 : vector<16xi32>
    %shift_right_logical3A_1084 = arith.constant 7 : i32
    %shift_right_logical3A_1085 = vector.broadcast %shift_right_logical3A_1084 : i32 to vector<16xi32>
    %shift_right_logical3A_1086 = arith.shrui %add3A_1077, %shift_right_logical3A_1085 : vector<16xi32>
    %shift_left3A_1087 = arith.constant 10 : i32
    %shift_left3A_1088 = vector.broadcast %shift_left3A_1087 : i32 to vector<16xi32>
    %shift_left3A_1089 = arith.shli %shift_right_logical3A_1086, %shift_left3A_1088 : vector<16xi32>
    %add3A_1090 = arith.addi %shift_left3A_1083, %shift_left3A_1089 : vector<16xi32>
    %and3A_1091 = arith.constant 7 : i32
    %and3A_1092 = vector.broadcast %and3A_1091 : i32 to vector<16xi32>
    %and3A_1093 = arith.andi %get3A_1073, %and3A_1092 : vector<16xi32>
    %shift_left3A_1094 = arith.constant 7 : i32
    %shift_left3A_1095 = vector.broadcast %shift_left3A_1094 : i32 to vector<16xi32>
    %shift_left3A_1096 = arith.shli %and3A_1093, %shift_left3A_1095 : vector<16xi32>
    %add3A_1097 = arith.addi %add3A_1090, %shift_left3A_1096 : vector<16xi32>
    %and3A_1098 = arith.constant 127 : i32
    %and3A_1099 = vector.broadcast %and3A_1098 : i32 to vector<16xi32>
    %and3A_1100 = arith.andi %add3A_1077, %and3A_1099 : vector<16xi32>
    %add3A_1101 = arith.addi %add3A_1097, %and3A_1100 : vector<16xi32>
    %swap3A_1102 = arith.constant 3 : i32
    %swap3A_1103 = arith.index_cast %swap3A_1102 : i32 to index
    %swap3A_1104 = arith.constant 80 : index
    %swap3A_1105 = tpu.vector_load %arg6[%swap3A_1103, %swap3A_1104] {strides = array<i32>} : memref<4x128xi32, #tpu.memory_space<vmem>>, vector<1x16xi32>,
    %swap3A_1106 = vector.shape_cast %swap3A_1105 : vector<1x16xi32> to vector<16xi32>
    %swap3A_1107 = vector.shape_cast %add3A_1101 : vector<16xi32> to vector<1x16xi32>
    tpu.vector_store %arg6[%swap3A_1103, %swap3A_1104], %swap3A_1107 {strides = array<i32>} : memref<4x128xi32, #tpu.memory_space<vmem>>, vector<1x16xi32>,
    %get3A_1108 = arith.constant 480 : index
    %get3A_1109 = tpu.vector_load %arg5[%get3A_1108] {strides = array<i32>} : memref<512xi32, #tpu.memory_space<vmem>>, vector<16xi32>,
    %get3A_1110 = vector.shape_cast %get3A_1109 : vector<16xi32> to vector<16xi32>
    %add3A_1111 = arith.constant 480 : i32
    %add3A_1112 = arith.addi %mul3A_2, %add3A_1111 : i32
    %add3A_1113 = vector.broadcast %add3A_1112 : i32 to vector<16xi32>
    %add3A_1114 = arith.addi %add3A_1113, %iota3A : vector<16xi32>
    %shift_right_logical3A_1115 = arith.constant 3 : i32
    %shift_right_logical3A_1116 = vector.broadcast %shift_right_logical3A_1115 : i32 to vector<16xi32>
    %shift_right_logical3A_1117 = arith.shrui %get3A_1110, %shift_right_logical3A_1116 : vector<16xi32>
    %shift_left3A_1118 = arith.constant 17 : i32
    %shift_left3A_1119 = vector.broadcast %shift_left3A_1118 : i32 to vector<16xi32>
    %shift_left3A_1120 = arith.shli %shift_right_logical3A_1117, %shift_left3A_1119 : vector<16xi32>
    %shift_right_logical3A_1121 = arith.constant 7 : i32
    %shift_right_logical3A_1122 = vector.broadcast %shift_right_logical3A_1121 : i32 to vector<16xi32>
    %shift_right_logical3A_1123 = arith.shrui %add3A_1114, %shift_right_logical3A_1122 : vector<16xi32>
    %shift_left3A_1124 = arith.constant 10 : i32
    %shift_left3A_1125 = vector.broadcast %shift_left3A_1124 : i32 to vector<16xi32>
    %shift_left3A_1126 = arith.shli %shift_right_logical3A_1123, %shift_left3A_1125 : vector<16xi32>
    %add3A_1127 = arith.addi %shift_left3A_1120, %shift_left3A_1126 : vector<16xi32>
    %and3A_1128 = arith.constant 7 : i32
    %and3A_1129 = vector.broadcast %and3A_1128 : i32 to vector<16xi32>
    %and3A_1130 = arith.andi %get3A_1110, %and3A_1129 : vector<16xi32>
    %shift_left3A_1131 = arith.constant 7 : i32
    %shift_left3A_1132 = vector.broadcast %shift_left3A_1131 : i32 to vector<16xi32>
    %shift_left3A_1133 = arith.shli %and3A_1130, %shift_left3A_1132 : vector<16xi32>
    %add3A_1134 = arith.addi %add3A_1127, %shift_left3A_1133 : vector<16xi32>
    %and3A_1135 = arith.constant 127 : i32
    %and3A_1136 = vector.broadcast %and3A_1135 : i32 to vector<16xi32>
    %and3A_1137 = arith.andi %add3A_1114, %and3A_1136 : vector<16xi32>
    %add3A_1138 = arith.addi %add3A_1134, %and3A_1137 : vector<16xi32>
    %swap3A_1139 = arith.constant 3 : i32
    %swap3A_1140 = arith.index_cast %swap3A_1139 : i32 to index
    %swap3A_1141 = arith.constant 96 : index
    %swap3A_1142 = tpu.vector_load %arg6[%swap3A_1140, %swap3A_1141] {strides = array<i32>} : memref<4x128xi32, #tpu.memory_space<vmem>>, vector<1x16xi32>,
    %swap3A_1143 = vector.shape_cast %swap3A_1142 : vector<1x16xi32> to vector<16xi32>
    %swap3A_1144 = vector.shape_cast %add3A_1138 : vector<16xi32> to vector<1x16xi32>
    tpu.vector_store %arg6[%swap3A_1140, %swap3A_1141], %swap3A_1144 {strides = array<i32>} : memref<4x128xi32, #tpu.memory_space<vmem>>, vector<1x16xi32>,
    %get3A_1145 = arith.constant 496 : index
    %get3A_1146 = tpu.vector_load %arg5[%get3A_1145] {strides = array<i32>} : memref<512xi32, #tpu.memory_space<vmem>>, vector<16xi32>,
    %get3A_1147 = vector.shape_cast %get3A_1146 : vector<16xi32> to vector<16xi32>
    %add3A_1148 = arith.constant 496 : i32
    %add3A_1149 = arith.addi %mul3A_2, %add3A_1148 : i32
    %add3A_1150 = vector.broadcast %add3A_1149 : i32 to vector<16xi32>
    %add3A_1151 = arith.addi %add3A_1150, %iota3A : vector<16xi32>
    %shift_right_logical3A_1152 = arith.constant 3 : i32
    %shift_right_logical3A_1153 = vector.broadcast %shift_right_logical3A_1152 : i32 to vector<16xi32>
    %shift_right_logical3A_1154 = arith.shrui %get3A_1147, %shift_right_logical3A_1153 : vector<16xi32>
    %shift_left3A_1155 = arith.constant 17 : i32
    %shift_left3A_1156 = vector.broadcast %shift_left3A_1155 : i32 to vector<16xi32>
    %shift_left3A_1157 = arith.shli %shift_right_logical3A_1154, %shift_left3A_1156 : vector<16xi32>
    %shift_right_logical3A_1158 = arith.constant 7 : i32
    %shift_right_logical3A_1159 = vector.broadcast %shift_right_logical3A_1158 : i32 to vector<16xi32>
    %shift_right_logical3A_1160 = arith.shrui %add3A_1151, %shift_right_logical3A_1159 : vector<16xi32>
    %shift_left3A_1161 = arith.constant 10 : i32
    %shift_left3A_1162 = vector.broadcast %shift_left3A_1161 : i32 to vector<16xi32>
    %shift_left3A_1163 = arith.shli %shift_right_logical3A_1160, %shift_left3A_1162 : vector<16xi32>
    %add3A_1164 = arith.addi %shift_left3A_1157, %shift_left3A_1163 : vector<16xi32>
    %and3A_1165 = arith.constant 7 : i32
    %and3A_1166 = vector.broadcast %and3A_1165 : i32 to vector<16xi32>
    %and3A_1167 = arith.andi %get3A_1147, %and3A_1166 : vector<16xi32>
    %shift_left3A_1168 = arith.constant 7 : i32
    %shift_left3A_1169 = vector.broadcast %shift_left3A_1168 : i32 to vector<16xi32>
    %shift_left3A_1170 = arith.shli %and3A_1167, %shift_left3A_1169 : vector<16xi32>
    %add3A_1171 = arith.addi %add3A_1164, %shift_left3A_1170 : vector<16xi32>
    %and3A_1172 = arith.constant 127 : i32
    %and3A_1173 = vector.broadcast %and3A_1172 : i32 to vector<16xi32>
    %and3A_1174 = arith.andi %add3A_1151, %and3A_1173 : vector<16xi32>
    %add3A_1175 = arith.addi %add3A_1171, %and3A_1174 : vector<16xi32>
    %swap3A_1176 = arith.constant 3 : i32
    %swap3A_1177 = arith.index_cast %swap3A_1176 : i32 to index
    %swap3A_1178 = arith.constant 112 : index
    %swap3A_1179 = tpu.vector_load %arg6[%swap3A_1177, %swap3A_1178] {strides = array<i32>} : memref<4x128xi32, #tpu.memory_space<vmem>>, vector<1x16xi32>,
    %swap3A_1180 = vector.shape_cast %swap3A_1179 : vector<1x16xi32> to vector<16xi32>
    %swap3A_1181 = vector.shape_cast %add3A_1175 : vector<16xi32> to vector<1x16xi32>
    tpu.vector_store %arg6[%swap3A_1177, %swap3A_1178], %swap3A_1181 {strides = array<i32>} : memref<4x128xi32, #tpu.memory_space<vmem>>, vector<1x16xi32>,
    %dma_start3A = arith.constant 0 : i32
    %dma_start3A_1182 = arith.constant 0 : i32
    %dma_start3A_1183 = tpu.memref_slice %arg7[%dma_start3A_1182] : memref<512xf32, #tpu.memory_space<vmem>> -> memref<128xf32, #tpu.memory_space<vmem>>
    %dma_start3A_1184 = arith.constant 0 : i32
    %dma_start3A_1185 = tpu.memref_slice %arg6[%dma_start3A, %dma_start3A_1184] : memref<4x128xi32, #tpu.memory_space<vmem>> -> memref<1x128xi32, #tpu.memory_space<vmem>>
    %dma_start3A_1186 = tpu.memref_squeeze %dma_start3A_1185 : memref<1x128xi32, #tpu.memory_space<vmem>> -> memref<128xi32, #tpu.memory_space<vmem>>
    %dma_start3A_1187 = arith.constant 0 : i32
    %dma_start3A_1188 = tpu.memref_slice %arg2[%dma_start3A_1187] : memref<16384000xf32, #tpu.memory_space<hbm>> -> memref<16384000xf32, #tpu.memory_space<hbm>>
    tpu.enqueue_indirect_dma source(%dma_start3A_1188 : memref<16384000xf32, #tpu.memory_space<hbm>>) target(%dma_start3A_1183 : memref<128xf32, #tpu.memory_space<vmem>>) offsets(%dma_start3A_1186 : memref<128xi32, #tpu.memory_space<vmem>>) semaphore(%arg9 : memref<!tpu.dma_semaphore, #tpu.memory_space<semaphore_mem>>)
    %dma_start3A_1189 = arith.constant 1 : i32
    %dma_start3A_1190 = arith.constant 128 : i32
    %dma_start3A_1191 = tpu.memref_slice %arg7[%dma_start3A_1190] : memref<512xf32, #tpu.memory_space<vmem>> -> memref<128xf32, #tpu.memory_space<vmem>>
    %dma_start3A_1192 = arith.constant 0 : i32
    %dma_start3A_1193 = tpu.memref_slice %arg6[%dma_start3A_1189, %dma_start3A_1192] : memref<4x128xi32, #tpu.memory_space<vmem>> -> memref<1x128xi32, #tpu.memory_space<vmem>>
    %dma_start3A_1194 = tpu.memref_squeeze %dma_start3A_1193 : memref<1x128xi32, #tpu.memory_space<vmem>> -> memref<128xi32, #tpu.memory_space<vmem>>
    %dma_start3A_1195 = arith.constant 0 : i32
    %dma_start3A_1196 = tpu.memref_slice %arg2[%dma_start3A_1195] : memref<16384000xf32, #tpu.memory_space<hbm>> -> memref<16384000xf32, #tpu.memory_space<hbm>>
    tpu.enqueue_indirect_dma source(%dma_start3A_1196 : memref<16384000xf32, #tpu.memory_space<hbm>>) target(%dma_start3A_1191 : memref<128xf32, #tpu.memory_space<vmem>>) offsets(%dma_start3A_1194 : memref<128xi32, #tpu.memory_space<vmem>>) semaphore(%arg9 : memref<!tpu.dma_semaphore, #tpu.memory_space<semaphore_mem>>)
    %dma_start3A_1197 = arith.constant 2 : i32
    %dma_start3A_1198 = arith.constant 256 : i32
    %dma_start3A_1199 = tpu.memref_slice %arg7[%dma_start3A_1198] : memref<512xf32, #tpu.memory_space<vmem>> -> memref<128xf32, #tpu.memory_space<vmem>>
    %dma_start3A_1200 = arith.constant 0 : i32
    %dma_start3A_1201 = tpu.memref_slice %arg6[%dma_start3A_1197, %dma_start3A_1200] : memref<4x128xi32, #tpu.memory_space<vmem>> -> memref<1x128xi32, #tpu.memory_space<vmem>>
    %dma_start3A_1202 = tpu.memref_squeeze %dma_start3A_1201 : memref<1x128xi32, #tpu.memory_space<vmem>> -> memref<128xi32, #tpu.memory_space<vmem>>
    %dma_start3A_1203 = arith.constant 0 : i32
    %dma_start3A_1204 = tpu.memref_slice %arg2[%dma_start3A_1203] : memref<16384000xf32, #tpu.memory_space<hbm>> -> memref<16384000xf32, #tpu.memory_space<hbm>>
    tpu.enqueue_indirect_dma source(%dma_start3A_1204 : memref<16384000xf32, #tpu.memory_space<hbm>>) target(%dma_start3A_1199 : memref<128xf32, #tpu.memory_space<vmem>>) offsets(%dma_start3A_1202 : memref<128xi32, #tpu.memory_space<vmem>>) semaphore(%arg9 : memref<!tpu.dma_semaphore, #tpu.memory_space<semaphore_mem>>)
    %dma_start3A_1205 = arith.constant 3 : i32
    %dma_start3A_1206 = arith.constant 384 : i32
    %dma_start3A_1207 = tpu.memref_slice %arg7[%dma_start3A_1206] : memref<512xf32, #tpu.memory_space<vmem>> -> memref<128xf32, #tpu.memory_space<vmem>>
    %dma_start3A_1208 = arith.constant 0 : i32
    %dma_start3A_1209 = tpu.memref_slice %arg6[%dma_start3A_1205, %dma_start3A_1208] : memref<4x128xi32, #tpu.memory_space<vmem>> -> memref<1x128xi32, #tpu.memory_space<vmem>>
    %dma_start3A_1210 = tpu.memref_squeeze %dma_start3A_1209 : memref<1x128xi32, #tpu.memory_space<vmem>> -> memref<128xi32, #tpu.memory_space<vmem>>
    %dma_start3A_1211 = arith.constant 0 : i32
    %dma_start3A_1212 = tpu.memref_slice %arg2[%dma_start3A_1211] : memref<16384000xf32, #tpu.memory_space<hbm>> -> memref<16384000xf32, #tpu.memory_space<hbm>>
    tpu.enqueue_indirect_dma source(%dma_start3A_1212 : memref<16384000xf32, #tpu.memory_space<hbm>>) target(%dma_start3A_1207 : memref<128xf32, #tpu.memory_space<vmem>>) offsets(%dma_start3A_1210 : memref<128xi32, #tpu.memory_space<vmem>>) semaphore(%arg9 : memref<!tpu.dma_semaphore, #tpu.memory_space<semaphore_mem>>)
    %dma_wait3A = arith.constant 0 : i32
    %dma_wait3A_1213 = arith.constant 0 : i32
    %dma_wait3A_1214 = tpu.memref_slice %arg7[%dma_wait3A_1213] : memref<512xf32, #tpu.memory_space<vmem>> -> memref<128xf32, #tpu.memory_space<vmem>>
    %dma_wait3A_1215 = arith.constant 0 : i32
    %dma_wait3A_1216 = tpu.memref_slice %arg6[%dma_wait3A, %dma_wait3A_1215] : memref<4x128xi32, #tpu.memory_space<vmem>> -> memref<1x128xi32, #tpu.memory_space<vmem>>
    %dma_wait3A_1217 = tpu.memref_squeeze %dma_wait3A_1216 : memref<1x128xi32, #tpu.memory_space<vmem>> -> memref<128xi32, #tpu.memory_space<vmem>>
    %dma_wait3A_1218 = arith.constant 0 : i32
    %dma_wait3A_1219 = tpu.memref_slice %arg2[%dma_wait3A_1218] : memref<16384000xf32, #tpu.memory_space<hbm>> -> memref<16384000xf32, #tpu.memory_space<hbm>>
    tpu.wait_indirect_dma semaphore(%arg9 : memref<!tpu.dma_semaphore, #tpu.memory_space<semaphore_mem>>) src(%dma_wait3A_1219 : memref<16384000xf32, #tpu.memory_space<hbm>>) dst(%dma_wait3A_1214 : memref<128xf32, #tpu.memory_space<vmem>>)
    %dma_wait3A_1220 = arith.constant 1 : i32
    %dma_wait3A_1221 = arith.constant 128 : i32
    %dma_wait3A_1222 = tpu.memref_slice %arg7[%dma_wait3A_1221] : memref<512xf32, #tpu.memory_space<vmem>> -> memref<128xf32, #tpu.memory_space<vmem>>
    %dma_wait3A_1223 = arith.constant 0 : i32
    %dma_wait3A_1224 = tpu.memref_slice %arg6[%dma_wait3A_1220, %dma_wait3A_1223] : memref<4x128xi32, #tpu.memory_space<vmem>> -> memref<1x128xi32, #tpu.memory_space<vmem>>
    %dma_wait3A_1225 = tpu.memref_squeeze %dma_wait3A_1224 : memref<1x128xi32, #tpu.memory_space<vmem>> -> memref<128xi32, #tpu.memory_space<vmem>>
    %dma_wait3A_1226 = arith.constant 0 : i32
    %dma_wait3A_1227 = tpu.memref_slice %arg2[%dma_wait3A_1226] : memref<16384000xf32, #tpu.memory_space<hbm>> -> memref<16384000xf32, #tpu.memory_space<hbm>>
    tpu.wait_indirect_dma semaphore(%arg9 : memref<!tpu.dma_semaphore, #tpu.memory_space<semaphore_mem>>) src(%dma_wait3A_1227 : memref<16384000xf32, #tpu.memory_space<hbm>>) dst(%dma_wait3A_1222 : memref<128xf32, #tpu.memory_space<vmem>>)
    %dma_wait3A_1228 = arith.constant 2 : i32
    %dma_wait3A_1229 = arith.constant 256 : i32
    %dma_wait3A_1230 = tpu.memref_slice %arg7[%dma_wait3A_1229] : memref<512xf32, #tpu.memory_space<vmem>> -> memref<128xf32, #tpu.memory_space<vmem>>
    %dma_wait3A_1231 = arith.constant 0 : i32
    %dma_wait3A_1232 = tpu.memref_slice %arg6[%dma_wait3A_1228, %dma_wait3A_1231] : memref<4x128xi32, #tpu.memory_space<vmem>> -> memref<1x128xi32, #tpu.memory_space<vmem>>
    %dma_wait3A_1233 = tpu.memref_squeeze %dma_wait3A_1232 : memref<1x128xi32, #tpu.memory_space<vmem>> -> memref<128xi32, #tpu.memory_space<vmem>>
    %dma_wait3A_1234 = arith.constant 0 : i32
    %dma_wait3A_1235 = tpu.memref_slice %arg2[%dma_wait3A_1234] : memref<16384000xf32, #tpu.memory_space<hbm>> -> memref<16384000xf32, #tpu.memory_space<hbm>>
    tpu.wait_indirect_dma semaphore(%arg9 : memref<!tpu.dma_semaphore, #tpu.memory_space<semaphore_mem>>) src(%dma_wait3A_1235 : memref<16384000xf32, #tpu.memory_space<hbm>>) dst(%dma_wait3A_1230 : memref<128xf32, #tpu.memory_space<vmem>>)
    %dma_wait3A_1236 = arith.constant 3 : i32
    %dma_wait3A_1237 = arith.constant 384 : i32
    %dma_wait3A_1238 = tpu.memref_slice %arg7[%dma_wait3A_1237] : memref<512xf32, #tpu.memory_space<vmem>> -> memref<128xf32, #tpu.memory_space<vmem>>
    %dma_wait3A_1239 = arith.constant 0 : i32
    %dma_wait3A_1240 = tpu.memref_slice %arg6[%dma_wait3A_1236, %dma_wait3A_1239] : memref<4x128xi32, #tpu.memory_space<vmem>> -> memref<1x128xi32, #tpu.memory_space<vmem>>
    %dma_wait3A_1241 = tpu.memref_squeeze %dma_wait3A_1240 : memref<1x128xi32, #tpu.memory_space<vmem>> -> memref<128xi32, #tpu.memory_space<vmem>>
    %dma_wait3A_1242 = arith.constant 0 : i32
    %dma_wait3A_1243 = tpu.memref_slice %arg2[%dma_wait3A_1242] : memref<16384000xf32, #tpu.memory_space<hbm>> -> memref<16384000xf32, #tpu.memory_space<hbm>>
    tpu.wait_indirect_dma semaphore(%arg9 : memref<!tpu.dma_semaphore, #tpu.memory_space<semaphore_mem>>) src(%dma_wait3A_1243 : memref<16384000xf32, #tpu.memory_space<hbm>>) dst(%dma_wait3A_1238 : memref<128xf32, #tpu.memory_space<vmem>>)
    %broadcast_in_dim3A = arith.constant 0.000000e+00 : f32
    %broadcast_in_dim3A_1244 = vector.broadcast %broadcast_in_dim3A : f32 to vector<16xf32>
    %get3A_1245 = arith.constant 0 : index
    %get3A_1246 = tpu.vector_load %arg7[%get3A_1245] {strides = array<i32>} : memref<512xf32, #tpu.memory_space<vmem>>, vector<16xf32>,
    %get3A_1247 = vector.shape_cast %get3A_1246 : vector<16xf32> to vector<16xf32>
    %add3A_1248 = arith.addf %broadcast_in_dim3A_1244, %get3A_1247 : vector<16xf32>
    %get3A_1249 = arith.constant 16 : index
    %get3A_1250 = tpu.vector_load %arg7[%get3A_1249] {strides = array<i32>} : memref<512xf32, #tpu.memory_space<vmem>>, vector<16xf32>,
    %get3A_1251 = vector.shape_cast %get3A_1250 : vector<16xf32> to vector<16xf32>
    %add3A_1252 = arith.addf %add3A_1248, %get3A_1251 : vector<16xf32>
    %get3A_1253 = arith.constant 32 : index
    %get3A_1254 = tpu.vector_load %arg7[%get3A_1253] {strides = array<i32>} : memref<512xf32, #tpu.memory_space<vmem>>, vector<16xf32>,
    %get3A_1255 = vector.shape_cast %get3A_1254 : vector<16xf32> to vector<16xf32>
    %add3A_1256 = arith.addf %add3A_1252, %get3A_1255 : vector<16xf32>
    %get3A_1257 = arith.constant 48 : index
    %get3A_1258 = tpu.vector_load %arg7[%get3A_1257] {strides = array<i32>} : memref<512xf32, #tpu.memory_space<vmem>>, vector<16xf32>,
    %get3A_1259 = vector.shape_cast %get3A_1258 : vector<16xf32> to vector<16xf32>
    %add3A_1260 = arith.addf %add3A_1256, %get3A_1259 : vector<16xf32>
    %get3A_1261 = arith.constant 64 : index
    %get3A_1262 = tpu.vector_load %arg7[%get3A_1261] {strides = array<i32>} : memref<512xf32, #tpu.memory_space<vmem>>, vector<16xf32>,
    %get3A_1263 = vector.shape_cast %get3A_1262 : vector<16xf32> to vector<16xf32>
    %add3A_1264 = arith.addf %add3A_1260, %get3A_1263 : vector<16xf32>
    %get3A_1265 = arith.constant 80 : index
    %get3A_1266 = tpu.vector_load %arg7[%get3A_1265] {strides = array<i32>} : memref<512xf32, #tpu.memory_space<vmem>>, vector<16xf32>,
    %get3A_1267 = vector.shape_cast %get3A_1266 : vector<16xf32> to vector<16xf32>
    %add3A_1268 = arith.addf %add3A_1264, %get3A_1267 : vector<16xf32>
    %get3A_1269 = arith.constant 96 : index
    %get3A_1270 = tpu.vector_load %arg7[%get3A_1269] {strides = array<i32>} : memref<512xf32, #tpu.memory_space<vmem>>, vector<16xf32>,
    %get3A_1271 = vector.shape_cast %get3A_1270 : vector<16xf32> to vector<16xf32>
    %add3A_1272 = arith.addf %add3A_1268, %get3A_1271 : vector<16xf32>
    %get3A_1273 = arith.constant 112 : index
    %get3A_1274 = tpu.vector_load %arg7[%get3A_1273] {strides = array<i32>} : memref<512xf32, #tpu.memory_space<vmem>>, vector<16xf32>,
    %get3A_1275 = vector.shape_cast %get3A_1274 : vector<16xf32> to vector<16xf32>
    %add3A_1276 = arith.addf %add3A_1272, %get3A_1275 : vector<16xf32>
    %get3A_1277 = arith.constant 128 : index
    %get3A_1278 = tpu.vector_load %arg7[%get3A_1277] {strides = array<i32>} : memref<512xf32, #tpu.memory_space<vmem>>, vector<16xf32>,
    %get3A_1279 = vector.shape_cast %get3A_1278 : vector<16xf32> to vector<16xf32>
    %add3A_1280 = arith.addf %add3A_1276, %get3A_1279 : vector<16xf32>
    %get3A_1281 = arith.constant 144 : index
    %get3A_1282 = tpu.vector_load %arg7[%get3A_1281] {strides = array<i32>} : memref<512xf32, #tpu.memory_space<vmem>>, vector<16xf32>,
    %get3A_1283 = vector.shape_cast %get3A_1282 : vector<16xf32> to vector<16xf32>
    %add3A_1284 = arith.addf %add3A_1280, %get3A_1283 : vector<16xf32>
    %get3A_1285 = arith.constant 160 : index
    %get3A_1286 = tpu.vector_load %arg7[%get3A_1285] {strides = array<i32>} : memref<512xf32, #tpu.memory_space<vmem>>, vector<16xf32>,
    %get3A_1287 = vector.shape_cast %get3A_1286 : vector<16xf32> to vector<16xf32>
    %add3A_1288 = arith.addf %add3A_1284, %get3A_1287 : vector<16xf32>
    %get3A_1289 = arith.constant 176 : index
    %get3A_1290 = tpu.vector_load %arg7[%get3A_1289] {strides = array<i32>} : memref<512xf32, #tpu.memory_space<vmem>>, vector<16xf32>,
    %get3A_1291 = vector.shape_cast %get3A_1290 : vector<16xf32> to vector<16xf32>
    %add3A_1292 = arith.addf %add3A_1288, %get3A_1291 : vector<16xf32>
    %get3A_1293 = arith.constant 192 : index
    %get3A_1294 = tpu.vector_load %arg7[%get3A_1293] {strides = array<i32>} : memref<512xf32, #tpu.memory_space<vmem>>, vector<16xf32>,
    %get3A_1295 = vector.shape_cast %get3A_1294 : vector<16xf32> to vector<16xf32>
    %add3A_1296 = arith.addf %add3A_1292, %get3A_1295 : vector<16xf32>
    %get3A_1297 = arith.constant 208 : index
    %get3A_1298 = tpu.vector_load %arg7[%get3A_1297] {strides = array<i32>} : memref<512xf32, #tpu.memory_space<vmem>>, vector<16xf32>,
    %get3A_1299 = vector.shape_cast %get3A_1298 : vector<16xf32> to vector<16xf32>
    %add3A_1300 = arith.addf %add3A_1296, %get3A_1299 : vector<16xf32>
    %get3A_1301 = arith.constant 224 : index
    %get3A_1302 = tpu.vector_load %arg7[%get3A_1301] {strides = array<i32>} : memref<512xf32, #tpu.memory_space<vmem>>, vector<16xf32>,
    %get3A_1303 = vector.shape_cast %get3A_1302 : vector<16xf32> to vector<16xf32>
    %add3A_1304 = arith.addf %add3A_1300, %get3A_1303 : vector<16xf32>
    %get3A_1305 = arith.constant 240 : index
    %get3A_1306 = tpu.vector_load %arg7[%get3A_1305] {strides = array<i32>} : memref<512xf32, #tpu.memory_space<vmem>>, vector<16xf32>,
    %get3A_1307 = vector.shape_cast %get3A_1306 : vector<16xf32> to vector<16xf32>
    %add3A_1308 = arith.addf %add3A_1304, %get3A_1307 : vector<16xf32>
    %get3A_1309 = arith.constant 256 : index
    %get3A_1310 = tpu.vector_load %arg7[%get3A_1309] {strides = array<i32>} : memref<512xf32, #tpu.memory_space<vmem>>, vector<16xf32>,
    %get3A_1311 = vector.shape_cast %get3A_1310 : vector<16xf32> to vector<16xf32>
    %add3A_1312 = arith.addf %add3A_1308, %get3A_1311 : vector<16xf32>
    %get3A_1313 = arith.constant 272 : index
    %get3A_1314 = tpu.vector_load %arg7[%get3A_1313] {strides = array<i32>} : memref<512xf32, #tpu.memory_space<vmem>>, vector<16xf32>,
    %get3A_1315 = vector.shape_cast %get3A_1314 : vector<16xf32> to vector<16xf32>
    %add3A_1316 = arith.addf %add3A_1312, %get3A_1315 : vector<16xf32>
    %get3A_1317 = arith.constant 288 : index
    %get3A_1318 = tpu.vector_load %arg7[%get3A_1317] {strides = array<i32>} : memref<512xf32, #tpu.memory_space<vmem>>, vector<16xf32>,
    %get3A_1319 = vector.shape_cast %get3A_1318 : vector<16xf32> to vector<16xf32>
    %add3A_1320 = arith.addf %add3A_1316, %get3A_1319 : vector<16xf32>
    %get3A_1321 = arith.constant 304 : index
    %get3A_1322 = tpu.vector_load %arg7[%get3A_1321] {strides = array<i32>} : memref<512xf32, #tpu.memory_space<vmem>>, vector<16xf32>,
    %get3A_1323 = vector.shape_cast %get3A_1322 : vector<16xf32> to vector<16xf32>
    %add3A_1324 = arith.addf %add3A_1320, %get3A_1323 : vector<16xf32>
    %get3A_1325 = arith.constant 320 : index
    %get3A_1326 = tpu.vector_load %arg7[%get3A_1325] {strides = array<i32>} : memref<512xf32, #tpu.memory_space<vmem>>, vector<16xf32>,
    %get3A_1327 = vector.shape_cast %get3A_1326 : vector<16xf32> to vector<16xf32>
    %add3A_1328 = arith.addf %add3A_1324, %get3A_1327 : vector<16xf32>
    %get3A_1329 = arith.constant 336 : index
    %get3A_1330 = tpu.vector_load %arg7[%get3A_1329] {strides = array<i32>} : memref<512xf32, #tpu.memory_space<vmem>>, vector<16xf32>,
    %get3A_1331 = vector.shape_cast %get3A_1330 : vector<16xf32> to vector<16xf32>
    %add3A_1332 = arith.addf %add3A_1328, %get3A_1331 : vector<16xf32>
    %get3A_1333 = arith.constant 352 : index
    %get3A_1334 = tpu.vector_load %arg7[%get3A_1333] {strides = array<i32>} : memref<512xf32, #tpu.memory_space<vmem>>, vector<16xf32>,
    %get3A_1335 = vector.shape_cast %get3A_1334 : vector<16xf32> to vector<16xf32>
    %add3A_1336 = arith.addf %add3A_1332, %get3A_1335 : vector<16xf32>
    %get3A_1337 = arith.constant 368 : index
    %get3A_1338 = tpu.vector_load %arg7[%get3A_1337] {strides = array<i32>} : memref<512xf32, #tpu.memory_space<vmem>>, vector<16xf32>,
    %get3A_1339 = vector.shape_cast %get3A_1338 : vector<16xf32> to vector<16xf32>
    %add3A_1340 = arith.addf %add3A_1336, %get3A_1339 : vector<16xf32>
    %get3A_1341 = arith.constant 384 : index
    %get3A_1342 = tpu.vector_load %arg7[%get3A_1341] {strides = array<i32>} : memref<512xf32, #tpu.memory_space<vmem>>, vector<16xf32>,
    %get3A_1343 = vector.shape_cast %get3A_1342 : vector<16xf32> to vector<16xf32>
    %add3A_1344 = arith.addf %add3A_1340, %get3A_1343 : vector<16xf32>
    %get3A_1345 = arith.constant 400 : index
    %get3A_1346 = tpu.vector_load %arg7[%get3A_1345] {strides = array<i32>} : memref<512xf32, #tpu.memory_space<vmem>>, vector<16xf32>,
    %get3A_1347 = vector.shape_cast %get3A_1346 : vector<16xf32> to vector<16xf32>
    %add3A_1348 = arith.addf %add3A_1344, %get3A_1347 : vector<16xf32>
    %get3A_1349 = arith.constant 416 : index
    %get3A_1350 = tpu.vector_load %arg7[%get3A_1349] {strides = array<i32>} : memref<512xf32, #tpu.memory_space<vmem>>, vector<16xf32>,
    %get3A_1351 = vector.shape_cast %get3A_1350 : vector<16xf32> to vector<16xf32>
    %add3A_1352 = arith.addf %add3A_1348, %get3A_1351 : vector<16xf32>
    %get3A_1353 = arith.constant 432 : index
    %get3A_1354 = tpu.vector_load %arg7[%get3A_1353] {strides = array<i32>} : memref<512xf32, #tpu.memory_space<vmem>>, vector<16xf32>,
    %get3A_1355 = vector.shape_cast %get3A_1354 : vector<16xf32> to vector<16xf32>
    %add3A_1356 = arith.addf %add3A_1352, %get3A_1355 : vector<16xf32>
    %get3A_1357 = arith.constant 448 : index
    %get3A_1358 = tpu.vector_load %arg7[%get3A_1357] {strides = array<i32>} : memref<512xf32, #tpu.memory_space<vmem>>, vector<16xf32>,
    %get3A_1359 = vector.shape_cast %get3A_1358 : vector<16xf32> to vector<16xf32>
    %add3A_1360 = arith.addf %add3A_1356, %get3A_1359 : vector<16xf32>
    %get3A_1361 = arith.constant 464 : index
    %get3A_1362 = tpu.vector_load %arg7[%get3A_1361] {strides = array<i32>} : memref<512xf32, #tpu.memory_space<vmem>>, vector<16xf32>,
    %get3A_1363 = vector.shape_cast %get3A_1362 : vector<16xf32> to vector<16xf32>
    %add3A_1364 = arith.addf %add3A_1360, %get3A_1363 : vector<16xf32>
    %get3A_1365 = arith.constant 480 : index
    %get3A_1366 = tpu.vector_load %arg7[%get3A_1365] {strides = array<i32>} : memref<512xf32, #tpu.memory_space<vmem>>, vector<16xf32>,
    %get3A_1367 = vector.shape_cast %get3A_1366 : vector<16xf32> to vector<16xf32>
    %add3A_1368 = arith.addf %add3A_1364, %get3A_1367 : vector<16xf32>
    %get3A_1369 = arith.constant 496 : index
    %get3A_1370 = tpu.vector_load %arg7[%get3A_1369] {strides = array<i32>} : memref<512xf32, #tpu.memory_space<vmem>>, vector<16xf32>,
    %get3A_1371 = vector.shape_cast %get3A_1370 : vector<16xf32> to vector<16xf32>
    %add3A_1372 = arith.addf %add3A_1368, %get3A_1371 : vector<16xf32>
    %mul3A_1373 = arith.constant -6.10351563E-4 : f32
    %mul3A_1374 = vector.broadcast %mul3A_1373 : f32 to vector<16xf32>
    %mul3A_1375 = arith.mulf %add3A_1372, %mul3A_1374 : vector<16xf32>
    %swap3A_1376 = arith.constant 0 : index
    %swap3A_1377 = tpu.vector_load %arg8[%swap3A_1376] {strides = array<i32>} : memref<16xf32, #tpu.memory_space<vmem>>, vector<16xf32>,
    %swap3A_1378 = vector.shape_cast %swap3A_1377 : vector<16xf32> to vector<16xf32>
    %swap3A_1379 = vector.shape_cast %mul3A_1375 : vector<16xf32> to vector<16xf32>
    tpu.vector_store %arg8[%swap3A_1376], %swap3A_1379 {strides = array<i32>} : memref<16xf32, #tpu.memory_space<vmem>>, vector<16xf32>,
    "tpu.region"() ({
      %run_scoped3A = tpu.sem_alloc : memref<!tpu.dma_semaphore, #tpu.memory_space<semaphore_mem>>
      %dma_start3A_1380 = arith.constant 0 : i32
      %dma_start3A_1381 = tpu.memref_slice %arg4[%add3A, %dma_start3A_1380] : memref<32x16xf32, #tpu.memory_space<hbm>> -> memref<1x16xf32, #tpu.memory_space<hbm>>
      %dma_start3A_1382 = tpu.memref_squeeze %dma_start3A_1381 : memref<1x16xf32, #tpu.memory_space<hbm>> -> memref<16xf32, #tpu.memory_space<hbm>>
      %dma_start3A_1383 = arith.constant 0 : i32
      %dma_start3A_1384 = tpu.memref_slice %arg4[%add3A, %dma_start3A_1383] : memref<32x16xf32, #tpu.memory_space<hbm>> -> memref<1x16xf32, #tpu.memory_space<hbm>>
      %dma_start3A_1385 = tpu.memref_squeeze %dma_start3A_1384 : memref<1x16xf32, #tpu.memory_space<hbm>> -> memref<16xf32, #tpu.memory_space<hbm>>
      tpu.enqueue_dma source(%arg8 : memref<16xf32, #tpu.memory_space<vmem>>) target(%dma_start3A_1385 : memref<16xf32, #tpu.memory_space<hbm>>) target_semaphore(%run_scoped3A : memref<!tpu.dma_semaphore, #tpu.memory_space<semaphore_mem>>)
      %dma_wait3A_1386 = arith.constant 0 : i32
      %dma_wait3A_1387 = tpu.memref_slice %arg4[%add3A, %dma_wait3A_1386] : memref<32x16xf32, #tpu.memory_space<hbm>> -> memref<1x16xf32, #tpu.memory_space<hbm>>
      %dma_wait3A_1388 = tpu.memref_squeeze %dma_wait3A_1387 : memref<1x16xf32, #tpu.memory_space<hbm>> -> memref<16xf32, #tpu.memory_space<hbm>>
      %dma_wait3A_1389 = arith.constant 0 : i32
      %dma_wait3A_1390 = tpu.memref_slice %arg4[%add3A, %dma_wait3A_1389] : memref<32x16xf32, #tpu.memory_space<hbm>> -> memref<1x16xf32, #tpu.memory_space<hbm>>
      %dma_wait3A_1391 = tpu.memref_squeeze %dma_wait3A_1390 : memref<1x16xf32, #tpu.memory_space<hbm>> -> memref<16xf32, #tpu.memory_space<hbm>>
      tpu.wait_dma2 semaphore(%run_scoped3A : memref<!tpu.dma_semaphore, #tpu.memory_space<semaphore_mem>>) src(%arg8 : memref<16xf32, #tpu.memory_space<vmem>>) dst(%dma_wait3A_1391 : memref<16xf32, #tpu.memory_space<hbm>>)
      tpu.yield
    }) : () -> ()
    return
  }
}

</mosaic_0001>

<sc_bundles>
// kernel: kernel.3.cloned.1.call-start
scs
__scs_entry_jumppad:
0x0: {  	(pc) =	sbr.rel $0x88, $3  }
0x1: {  	(tag) =	ssettag $0x0;
	lr =	simm.s32 $0x1  }
0x2: {  	[smem:$0x3F9F] =	sst lr;
	_ =	strace $0xD0000000  }
0x3: {  	_ = 	snop  }
0x4: {  	_ = 	snop  }
0x5: {  	_ = 	snop  }
0x6: {  	_ = 	snop  }
0x7: {  	_ = 	snop  }
__scs_overlays_trampoline_lowered:
0x8: {  	[smem:$0x3FAE] =	sst s0  }
0x9: {  	[smem:$0x3FAF] =	sst s1  }
0xa: {  	[smem:$0x3FB0] =	sst s2  }
0xb: {  	[smem:$0x3FB1] =	sst s3  }
0xc: {  	[smem:$0x3FB2] =	sst s4  }
0xd: {  	[smem:$0x3FB3] =	sst s5  }
0xe: {  	[smem:$0x3FB4] =	sst s6  }
0xf: {  	[smem:$0x3FB5] =	sst s7  }
0x10: {  	[smem:$0x3FB6] =	sst s8  }
0x11: {  	[smem:$0x3FB7] =	sst s9;
	s0 =	simm.s32 @!p0 $0x0  }
0x12: {  	s1 =	sld [smem:$0x3F9D];
	s0 =	simm.s32 @p0 $0x1  }
0x13: {  	[smem:$0x3FB8] =	sst s0;
	s0 =	simm.s32 @!p1 $0x0  }
0x14: {  	s2 =	sld [smem:$0x3F9C];
	s0 =	simm.s32 @p1 $0x1  }
0x15: {  	[smem:$0x3FB9] =	sst s0;
	s0 =	simm.s32 @!p2 $0x0  }
0x16: {  	s3 =	sld [smem:$0x3FDB];
	s0 =	simm.s32 @p2 $0x1  }
0x17: {  	s4 =	simm.s32 $0x1BF5;
	[smem:$0x3FBB] =	sst s0  }
0x18: {  	s0 =	sld [smem:$0x3F9E];
	_ =	swait.ge [sflag:s4], $0x0  }
0x19: {  	s7 =	sld [smem:$0x3F9F]  }
0x1a: {  	s8 =	sadd.s32 $0xFFFFE003, lr  }
0x1b: {  	s9 =	sadd.s32 $0xFFFFFEF7, lr;
	s5 =	simm.s32 $0xFFFFFFFF;
	p2 =	slt.u32 s8, $0xFFFFF086  }
0x1c: {  	p1 =	slt.u32 s9, $0xF7A;
	s5 =	simm.s32 @!p2 $0x0  }
0x1d: {  	s5 =	simm.s32 @p1 $0x1;
	p0 =	seq.s32 s7, s2  }
0x1e: {  	s7 =	smul.u32 @!p0 $0xF7A, s2;
	p2 =	seq.s32 @!p0 s5, $0x0  }
0x1f: {  	s9 =	smul.u32 $0xF7A, s1;
	s8 =	simm.s32 @!p0 $0x1BF5;
	p2 =	por !p2, p0  }
0x20: {  	[sflag:s8] =	ssyncset.s32 @!p0 $0xFFFFF086;
	s6 =	sadd.s32 @!p0 s3, s7;
	s7 =	simm.s32 @!p0 $0x108  }
0x21: {  	s3 =	sadd.s32 s3, s9;
	s6 =	sadd.s32 @!p0 $0x88, s6;
	s7 =	simm.s32 @p2 $0x1082  }
0x22: {  	[simem:s7], [sflag:s8] =	dma.local @!p0 [hbm:s6], $0xF7A  }
0x23: {  	s9 =	sor.u32 $0xD0000000, s2;
	s6 =	simm.s32 $0x108;
	_ =	swait.ge @!p0 [sflag:s8], $0x0  }
0x24: {  	s3 =	sadd.s32 $0x88, s3;
	s6 =	simm.s32 @!p1 $0x1082;
	[sflag:s4] =	ssyncset.s32 $0xFFFFF086  }
0x25: {  	[simem:s6], [sflag:s4] =	dma.local [hbm:s3], $0xF7A  }
0x26: {  	[smem:$0x3F9F] =	sst s1;
	(tag) =	ssettag s2;
	_ =	strace s9  }
0x27: {  	s1 =	sld [smem:$0x3FAF]  }
0x28: {  	s2 =	sld [smem:$0x3FB0]  }
0x29: {  	s4 =	sld [smem:$0x3FB2]  }
0x2a: {  	p0 =	seq.s32 s5, $0x0;
	s5 =	sld [smem:$0x3FB3]  }
0x2b: {  	s6 =	sld [smem:$0x3FB4]  }
0x2c: {  	s7 =	sld [smem:$0x3FB5]  }
0x2d: {  	s3 =	simm.s32 $0x108;
	s8 =	sld [smem:$0x3FB6]  }
0x2e: {  	s3 =	simm.s32 @!p0 $0x1082;
	s9 =	sld [smem:$0x3FB7]  }
0x2f: {  	lr =	sadd.s32 s0, s3;
	s0 =	sld [smem:$0x3FAE]  }
0x30: {  	s3 =	sld [smem:$0x3FB1]  }
0x31: {  	[smem:$0x3FBA] =	sst s10  }
0x32: {  	s10 =	sld [smem:$0x3FB8];
	_ =	sdelay $0x3  }
0x33: {  	p0 =	seq.s32 s10, $0x1;
	s10 =	sld [smem:$0x3FBA];
	_ =	sdelay $0x3  }
0x34: {  	[smem:$0x3FBA] =	sst s10  }
0x35: {  	s10 =	sld [smem:$0x3FB9];
	_ =	sdelay $0x3  }
0x36: {  	p1 =	seq.s32 s10, $0x1;
	s10 =	sld [smem:$0x3FBA];
	_ =	sdelay $0x3  }
0x37: {  	[smem:$0x3FBA] =	sst s10  }
0x38: {  	s10 =	sld [smem:$0x3FBB]  }
0x39: {  	_ = 	snop;
	(pc) =	sbr.ind lr, $3  }
0x3a: {  	_ = 	snop  }
0x3b: {  	_ = 	snop  }
0x3c: {  	p2 =	seq.s32 s10, $0x1;
	s10 =	sld [smem:$0x3FBA]  }
0x3d: {  	_ =	shalt  }
0x3e: {  	_ =	shalt  }
0x3f: {  	_ =	shalt  }
0x40: {  	_ =	shalt  }
0x41: {  	_ =	shalt  }
0x42: {  	_ =	shalt  }
0x43: {  	_ =	shalt  }
0x44: {  	_ =	shalt  }
0x45: {  	_ =	shalt  }
0x46: {  	_ =	shalt  }
0x47: {  	_ =	shalt  }
0x48: {  	_ =	shalt  }
0x49: {  	_ =	shalt  }
0x4a: {  	_ =	shalt  }
0x4b: {  	_ =	shalt  }
0x4c: {  	_ =	shalt  }
0x4d: {  	_ =	shalt  }
0x4e: {  	_ =	shalt  }
0x4f: {  	_ =	shalt  }
0x50: {  	_ =	shalt  }
0x51: {  	_ =	shalt  }
0x52: {  	_ =	shalt  }
0x53: {  	_ =	shalt  }
0x54: {  	_ =	shalt  }
0x55: {  	_ =	shalt  }
0x56: {  	_ =	shalt  }
0x57: {  	_ =	shalt  }
0x58: {  	_ =	shalt  }
0x59: {  	_ =	shalt  }
0x5a: {  	_ =	shalt  }
0x5b: {  	_ =	shalt  }
0x5c: {  	_ =	shalt  }
0x5d: {  	_ =	shalt  }
0x5e: {  	_ =	shalt  }
0x5f: {  	_ =	shalt  }
0x60: {  	_ =	shalt  }
0x61: {  	_ =	shalt  }
0x62: {  	_ =	shalt  }
0x63: {  	_ =	shalt  }
0x64: {  	_ =	shalt  }
0x65: {  	_ =	shalt  }
0x66: {  	_ =	shalt  }
0x67: {  	_ =	shalt  }
0x68: {  	_ =	shalt  }
0x69: {  	_ =	shalt  }
0x6a: {  	_ =	shalt  }
0x6b: {  	_ =	shalt  }
0x6c: {  	_ =	shalt  }
0x6d: {  	_ =	shalt  }
0x6e: {  	_ =	shalt  }
0x6f: {  	_ =	shalt  }
0x70: {  	_ =	shalt  }
0x71: {  	_ =	shalt  }
0x72: {  	_ =	shalt  }
0x73: {  	_ =	shalt  }
0x74: {  	_ =	shalt  }
0x75: {  	_ =	shalt  }
0x76: {  	_ =	shalt  }
0x77: {  	_ =	shalt  }
0x78: {  	_ =	shalt  }
0x79: {  	_ =	shalt  }
0x7a: {  	_ =	shalt  }
0x7b: {  	_ =	shalt  }
0x7c: {  	_ =	shalt  }
0x7d: {  	_ =	shalt  }
0x7e: {  	_ =	shalt  }
0x7f: {  	_ =	shalt  }
0x80: {  	_ =	shalt  }
0x81: {  	_ =	shalt  }
0x82: {  	_ =	shalt  }
0x83: {  	_ =	shalt  }
0x84: {  	_ =	shalt  }
0x85: {  	_ =	shalt  }
0x86: {  	_ =	shalt  }
0x87: {  	_ =	shalt  }
.Lfunc_end0:
.L_simem_size_0:
called_computation_lowered:
.L_overlay_start_0:
0x88: {  	s2 =	sld [smem:$0x3FD9]  }
0x89: {  	s3 =	sld [smem:$0x3FFE];
	_ =	sdelay $0x1  }
0x8a: {  	s1 =	srdreg.scid  }
0x8b: {  	s0 =	sand.u32 $0x1, s1  }
0x8c: {  	s17 =	sshll.u32 s0, $0xA;
	s2 =	sadd.s32 s3, s2  }
0x8d: {  	s2 =	sadd.s32 s2, s17  }
0x8e: {  	[smem:$0x3FC6] =	sst s2  }
0x8f: {  	_ = 	snop  }
0x90: {  	s2 =	sld [smem:$0x3FC9]  }
0x91: {  	s18 =	sld [smem:$0x3FC8];
	(tm) =	ssettm $0x1  }
0x92: {  	s4 =	sld [smem:$0x3FFB];
	_ =	sdelay $0x3  }
0x93: {  	_ =	strace s4  }
0x94: {  	s4 =	sld [smem:$0x3FFC];
	_ =	sdelay $0x3  }
0x95: {  	_ =	strace s4  }
0x96: {  	s4 =	sld [smem:$0x3FFD];
	_ =	sdelay $0x3  }
0x97: {  	_ =	strace s4  }
0x98: {  	_ =	strace $0x8FFFFFFF  }
0x99: {  	s19 =	sld [smem:$0x3FDB];
	_ =	sdelay $0x1  }
0x9a: {  	s5 =	simm.s32 $_scs_section_size  }
0x9b: {  	s6 =	simm.s32 $_size__tile_overlayer_lowered;
	s7 =	simm.s32 $_tile_overlayer_lowered  }
0x9c: {  	s22 =	simm.s32 $0x1BFF;
	s21 =	sshll.u32 s7, $0x1;
	s4 =	sadd.s32 s5, s19  }
0x9d: {  	s8 =	simm.s32 $0x0;
	s20 =	sshll.u32 s6, $0x1;
	s6 =	sadd.s32 s21, s4  }
0x9e: {  	[timem:s8], [sflag:s22] =	dma.local [hbm:s6], s20  }
0x9f: {  	_ =	swait.ge [sflag:s22], s20  }
0xa0: {  	s5 =	ssub.s32 $0x0, s20;
	[sflag:s22] =	ssyncset.done $0x0  }
0xa1: {  	[sflag:s22] =	ssyncadd.s32 s5;
	_ =	sdelay $0x1  }
0xa2: {  	s23 =	simm.s32 $0x1B8B  }
0xa3: {  	_ =	swait.ge [sflag:s23], $0x1  }
0xa4: {  	[sflag:s23] =	ssyncset.done $0x0  }
0xa5: {  	s25 =	simm.s32 $0x1B8E;
	s24 =	sld [smem:$0x3FFE];
	[sflag:s23] =	ssyncadd.s32 $0xFFFFFFFF  }
0xa6: {  	s26 =	simm.s32 $execute0_lowered;
	[smem:$0x3FD2] =	sst s25  }
0xa7: {  	s6 =	sshll.u32 s26, $0x1;
	_ =	strace $0x80000046;
	[dreg:$0x1] =	wrdreg $0xFFFFFFFF  }
0xa8: {  	s28 =	simm.s32 $_size_execute0_lowered;
	s4 =	sadd.s32 s4, s6;
	[dreg:$0x0] =	wrdreg $0x0  }
0xa9: {  	s6 =	sshll.u32 s28, $0x1;
	[dreg:$0x2] =	wrdreg s4  }
0xaa: {  	[dreg:$0x3] =	wrdreg s6  }
0xab: {  	[dreg:$0x4] =	wrdreg $0xC0  }
0xac: {  	_ =	task [dreg:s8], $0x5FFFF  }
0xad: {  	[dreg:$0x1] =	wrdreg $0xFFFFFFFF  }
0xae: {  	[dreg:$0x0] =	wrdreg $0x60  }
0xaf: {  	[dreg:$0x2] =	wrdreg s2  }
0xb0: {  	[dreg:$0x3] =	wrdreg s18  }
0xb1: {  	[dreg:$0x4] =	wrdreg s24  }
0xb2: {  	[dreg:$0x5] =	wrdreg $0x9  }
0xb3: {  	_ =	task.clear_ibuf [dreg:s8], $0x6FFFF;
	_ =	strace $0x90000046  }
0xb4: {  	s29 =	simm.s32 $0x9;
	_ =	strace $0x80000048  }
0xb5: {  	_ =	swait.ge [sflag:s29], $0x1  }
0xb6: {  	[sflag:s29] =	ssyncadd.s32 $0xFFFFFFFF  }
0xb7: {  	_ =	strace $0x90000048  }
0xb8: {  	_ =	sfence  }
0xb9: {  	s30 =	sld [smem:$0x0];
	_ =	sdelay $0x2  }
0xba: {  	s31 =	sshll.u32 s1, $0xD;
	s1 =	sshrl.u32 s1, $0x2  }
0xbb: {  	s3 =	sand.u32 $0x4000, s31;
	s1 =	sadd.s32 s1, s30  }
0xbc: {  	s0 =	sor.u32 s3, s0;
	s1 =	sshll.u32 s1, $0x11  }
0xbd: {  	s0 =	sor.u32 s1, s0  }
0xbe: {  	s0 =	sadd.s32 $0x8F2B, s0  }
0xbf: {  	[sflag:s0] =	ssyncadd.remote.s32 $0x1  }
0xc0: {  	_ =	sfence.sel $0xFFFF  }
0xc1: {  	[dreg:$0x0] =	wrdreg $0xFFFFFFFF;
	(pc) =	sbr.abs _section_cstart, $3  }
0xc2: {  	[dreg:$0x1] =	wrdreg $0xFFFFFFFF  }
0xc3: {  	_ =	task.clear_ibuf [dreg:s8], $0x2FFFF;
	_ =	strace $0x9FFFFFFF  }
0xc4: {  	(tm) =	ssettm $0x7FFFFFFF  }
0xc5: {  	_ =	shalt  }
tec
execute0_lowered:
.L_overlay_start_1:
0x0: {  	(tag) =	ssettag $0x1  }
0x1: {  	s1 =	srdreg.scid;
	s0 =	stileid.u32  }
0x2: {  	s6 =	sand.u32 $0x1, s1;
	s7 =	sshll.u32 s0, $0x1  }
0x3: {  	s4 =	sor.u32 s6, s7  }
0x4: {  	s5 =	sshll.u32 s4, $0x9  }
0x5: {  	v0 =	vmov s5  }
0x6: {  	s8 =	sor.u32 $0x80, s5;
	s9 =	sor.u32 $0x90, s5;
	s2 =	sor.u32 $0xA0, s5;
	v0 =	vshll.u32 v0, $0x3  }
0x7: {  	s10 =	sor.u32 $0xB0, s5;
	s11 =	sor.u32 $0xC0, s5;
	s12 =	sor.u32 $0xD0, s5;
	v1 =	vmov s8;
	v3 =	vmov s9;
	v4 =	vmov s2  }
0x8: {  	s13 =	sor.u32 $0xE0, s5;
	s14 =	sor.u32 $0xF0, s5;
	s15 =	sor.u32 $0x100, s5;
	v5 =	vmov s10;
	v6 =	vmov s11;
	v7 =	vmov s12  }
0x9: {  	s16 =	sor.u32 $0x110, s5;
	s17 =	sor.u32 $0x120, s5;
	s18 =	sor.u32 $0x130, s5;
	v8 =	vmov s13;
	v9 =	vmov s14;
	v10 =	vmov s15  }
0xa: {  	s19 =	sor.u32 $0x140, s5;
	s20 =	sor.u32 $0x150, s5;
	s21 =	sor.u32 $0x160, s5;
	v11 =	vmov s16;
	v12 =	vmov s17;
	v13 =	vmov s18  }
0xb: {  	s22 =	sor.u32 $0x170, s5;
	s23 =	sor.u32 $0x180, s5;
	s24 =	sor.u32 $0x190, s5;
	v14 =	vmov s19;
	v15 =	vmov s20;
	v16 =	vmov s21  }
0xc: {  	s25 =	sor.u32 $0x1A0, s5;
	s26 =	sor.u32 $0x1D0, s5;
	s29 =	sor.u32 $0x1E0, s5;
	v17 =	vmov s22;
	v18 =	vmov s23;
	v19 =	vmov s24  }
0xd: {  	v20 =	vmov s25;
	v23 =	vmov s26;
	v24 =	vmov s29  }
0xe: {  	v0 =	vbroadcast v0, $0x0;
	v1 =	vshll.u32 v1, $0x3;
	v3 =	vshll.u32 v3, $0x3  }
0xf: {  	v4 =	vshll.u32 v4, $0x3;
	v5 =	vshll.u32 v5, $0x3;
	v6 =	vshll.u32 v6, $0x3  }
0x10: {  	v7 =	vshll.u32 v7, $0x3;
	v8 =	vshll.u32 v8, $0x3;
	v9 =	vshll.u32 v9, $0x3  }
0x11: {  	v10 =	vshll.u32 v10, $0x3;
	v11 =	vshll.u32 v11, $0x3;
	v12 =	vshll.u32 v12, $0x3  }
0x12: {  	v13 =	vshll.u32 v13, $0x3;
	v14 =	vshll.u32 v14, $0x3;
	v15 =	vshll.u32 v15, $0x3  }
0x13: {  	s9 =	sor.u32 $0x1B0, s5;
	v16 =	vshll.u32 v16, $0x3;
	v17 =	vshll.u32 v17, $0x3;
	v18 =	vshll.u32 v18, $0x3  }
0x14: {  	s10 =	sor.u32 $0x1C0, s5;
	s5 =	sor.u32 $0x1F0, s5;
	v19 =	vshll.u32 v19, $0x3;
	v20 =	vshll.u32 v20, $0x3;
	v21 =	vmov s9  }
0x15: {  	v22 =	vmov s10;
	v23 =	vshll.u32 v23, $0x3;
	v25 =	vmov s5  }
0x16: {  	v24 =	vshll.u32 v24, $0x3;
	v2 =	vbroadcast v1, $0x0;
	v1 =	vlaneseq.u32  }
0x17: {  	v3 =	vand.u32 $0xFFFFF400, v3;
	v4 =	vand.u32 $0xFFFFF400, v4;
	v5 =	vand.u32 $0xFFFFF400, v5  }
0x18: {  	v6 =	vand.u32 $0xFFFFF400, v6;
	v7 =	vand.u32 $0xFFFFF400, v7;
	v8 =	vand.u32 $0xFFFFF400, v8  }
0x19: {  	v9 =	vand.u32 $0xFFFFF400, v9;
	v10 =	vbroadcast v10, $0x0;
	v11 =	vand.u32 $0xFFFFF800, v11  }
0x1a: {  	v12 =	vand.u32 $0xFFFFF800, v12;
	v13 =	vand.u32 $0xFFFFF800, v13;
	v14 =	vand.u32 $0xFFFFF800, v14  }
0x1b: {  	v15 =	vand.u32 $0xFFFFF800, v15;
	v16 =	vand.u32 $0xFFFFF800, v16;
	v18 =	vbroadcast v18, $0x0  }
0x1c: {  	v17 =	vand.u32 $0xFFFFF800, v17;
	v3 =	vbroadcast v3, $0x0;
	v4 =	vbroadcast v4, $0x0  }
0x1d: {  	v19 =	vand.u32 $0xFFFFFC00, v19;
	v5 =	vbroadcast v5, $0x0;
	v6 =	vbroadcast v6, $0x0  }
0x1e: {  	v20 =	vand.u32 $0xFFFFFC00, v20;
	v7 =	vbroadcast v7, $0x0;
	v8 =	vbroadcast v8, $0x0  }
0x1f: {  	v21 =	vshll.u32 v21, $0x3;
	v9 =	vbroadcast v9, $0x0;
	v11 =	vbroadcast v11, $0x0  }
0x20: {  	s3 =	simm.s32 $0x0;
	s1 =	rddreg [dreg:$0x0];
	v22 =	vshll.u32 v22, $0x3;
	v12 =	vbroadcast v12, $0x0;
	v13 =	vbroadcast v13, $0x0  }
0x21: {  	[smem:$0x7FF] =	sst s3;
	s6 =	ssub.s32 $0x2, s6;
	v23 =	vand.u32 $0xFFFFFC00, v23;
	v14 =	vbroadcast v14, $0x0;
	v15 =	vbroadcast v15, $0x0  }
0x22: {  	s7 =	rddreg [dreg:$0x1];
	s28 =	sshrl.u32 s6, $0x1;
	v25 =	vshll.u32 v25, $0x3;
	v16 =	vbroadcast v16, $0x0;
	v17 =	vbroadcast v17, $0x0  }
0x23: {  	s30 =	sshll.u32 s4, $0x6;
	s31 =	sshll.u32 s4, $0x4;
	s6 =	ssub.s32 s6, s28;
	v24 =	vand.u32 $0xFFFFFC00, v24;
	v19 =	vbroadcast v19, $0x0;
	v20 =	vbroadcast v20, $0x0  }
0x24: {  	s4 =	sadd.s32 s7, s30;
	s7 =	simm.s32 $0x2;
	s8 =	rddreg [dreg:$0x2];
	v21 =	vand.u32 $0xFFFFFC00, v21;
	v22 =	vand.u32 $0xFFFFFC00, v22;
	v23 =	vbroadcast v23, $0x0  }
0x25: {  	s2 =	rddreg [dreg:$0x3];
	_ =	strace $0x80000047;
	s6 =	smax.u32 s6, $0x1;
	v25 =	vand.u32 $0xFFFFFC00, v25;
	v24 =	vbroadcast v24, $0x0;
	v26 =	vor.u32 $0x10, v1  }
0x26: {  	s11 =	simm.s32 $0x280;
	s12 =	simm.s32 $0x480;
	s13 =	simm.s32 $0x300;
	v27 =	vor.u32 $0x20, v1;
	v28 =	vor.u32 $0x30, v1;
	v29 =	vor.u32 $0x40, v1  }
0x27: {  	s14 =	simm.s32 $0x500;
	s15 =	simm.s32 $0x380;
	s16 =	simm.s32 $0x580;
	v30 =	vor.u32 $0x50, v1;
	v31 =	vor.u32 $0x60, v1;
	v32 =	vor.u32 $0x70, v1  }
0x28: {  	s17 =	simm.s32 $0x1;
	s18 =	simm.s32 $0x600;
	s5 =	sadd.s32 s8, s31;
	v2 =	vor.u32 v1, v2;
	v10 =	vor.u32 v1, v10;
	v21 =	vbroadcast v21, $0x0  }
0x29: {  	s8 =	simm.s32 $0x80;
	s9 =	simm.s32 $0x200;
	s10 =	simm.s32 $0x400;
	v18 =	vor.u32 v1, v18;
	v22 =	vbroadcast v22, $0x0;
	v25 =	vbroadcast v25, $0x0  }
.LBB2_1:
0x2a: {  	[tilespmem:s3], [sflag:$0x2] =	stream.linear.gather [hbm4b:s4+s3], $0x200, $0x38;
	[tilespmem:$0x680] =	vst v63  }
0x2b: {  	_ =	swait.ge [sflag:s7], $0x200  }
0x2c: {  	[sflag:s7] =	ssyncset.done $0x0  }
0x2d: {  	[sflag:s7] =	ssyncadd.s32 $0xFFFFFE00  }
0x2e: {  	v33 =	vld [tilespmem:$0x0]  }
0x2f: {  	v34 =	vld [tilespmem:$0x10]  }
0x30: {  	v36 =	vld [tilespmem:$0x20]  }
0x31: {  	v38 =	vld [tilespmem:$0x30]  }
0x32: {  	v39 =	vld [tilespmem:$0x40]  }
0x33: {  	v56 =	vld [tilespmem:$0x50]  }
0x34: {  	v42 =	vld [tilespmem:$0x60]  }
0x35: {  	v61 =	vld [tilespmem:$0x70]  }
0x36: {  	v63 =	vld [tilespmem:$0x80]  }
0x37: {  	v43 =	vld [tilespmem:$0x90];
	v35 =	vshll.u32 v33, $0xE;
	v33 =	vshll.u32 v33, $0x7  }
0x38: {  	v49 =	vld [tilespmem:$0xA0];
	v37 =	vshll.u32 v34, $0xE;
	v34 =	vshll.u32 v34, $0x7;
	v55 =	vshll.u32 v36, $0xE  }
0x39: {  	v36 =	vshll.u32 v36, $0x7;
	v40 =	vshll.u32 v38, $0xE;
	v38 =	vshll.u32 v38, $0x7  }
0x3a: {  	v41 =	vshll.u32 v39, $0xE;
	v60 =	vshll.u32 v56, $0xE;
	v39 =	vshll.u32 v39, $0x7  }
0x3b: {  	v62 =	vshll.u32 v42, $0xE;
	v42 =	vshll.u32 v42, $0x7;
	v44 =	vshll.u32 v61, $0xE  }
0x3c: {  	v50 =	vshll.u32 v63, $0xE;
	v45 =	vshll.u32 v43, $0xE;
	v43 =	vshll.u32 v43, $0x7  }
0x3d: {  	v51 =	vshll.u32 v49, $0xE;
	v35 =	vand.u32 $0xFFFE0000, v35;
	v33 =	vand.u32 $0x380, v33  }
0x3e: {  	v37 =	vand.u32 $0xFFFE0000, v37;
	v53 =	vand.u32 $0x380, v34;
	v36 =	vand.u32 $0x380, v36  }
0x3f: {  	v47 =	vld [tilespmem:$0xC0];
	v57 =	vand.u32 $0xFFFE0000, v40;
	v38 =	vand.u32 $0x380, v38;
	v59 =	vand.u32 $0xFFFE0000, v41  }
0x40: {  	v39 =	vand.u32 $0x380, v39;
	v42 =	vand.u32 $0x380, v42;
	v44 =	vand.u32 $0xFFFE0000, v44  }
0x41: {  	v41 =	vshll.u32 v61, $0x7;
	v45 =	vand.u32 $0xFFFE0000, v45;
	v43 =	vand.u32 $0x380, v43  }
0x42: {  	v35 =	vadd.s32 v0, v35;
	v52 =	vadd.s32 v0, v37;
	v40 =	vadd.s32 v0, v57  }
0x43: {  	v46 =	vld [tilespmem:$0xB0];
	v37 =	vshll.u32 v56, $0x7;
	v48 =	vadd.s32 v0, v44;
	v41 =	vand.u32 $0x380, v41  }
0x44: {  	v45 =	vadd.s32 v3, v45;
	v44 =	vshll.u32 v49, $0x7;
	v57 =	vshll.u32 v47, $0xE  }
0x45: {  	v47 =	vshll.u32 v47, $0x7;
	v33 =	vor.u32 v33, v35;
	v54 =	vor.u32 v53, v52  }
0x46: {  	v35 =	vand.u32 $0xFFFE0000, v55;
	v58 =	vor.u32 v38, v40;
	v38 =	vadd.s32 v0, v59  }
0x47: {  	v40 =	vand.u32 $0xFFFE0000, v60;
	v37 =	vand.u32 $0x380, v37;
	v41 =	vor.u32 v41, v48  }
0x48: {  	v43 =	vor.u32 v43, v45;
	v52 =	vand.u32 $0xFFFE0000, v51;
	v53 =	vshll.u32 v46, $0xE  }
0x49: {  	v44 =	vand.u32 $0x380, v44;
	v46 =	vshll.u32 v46, $0x7;
	v47 =	vand.u32 $0x380, v47  }
0x4a: {  	v34 =	vor.u32 v1, v33;
	v33 =	vor.u32 v26, v54;
	v35 =	vadd.s32 v0, v35  }
0x4b: {  	v40 =	vadd.s32 v0, v40;
	v38 =	vor.u32 v39, v38;
	v39 =	vand.u32 $0xFFFE0000, v62  }
0x4c: {  	v41 =	vor.u32 v32, v41;
	v45 =	vand.u32 $0xFFFE0000, v53;
	v55 =	vand.u32 $0x380, v46  }
0x4d: {  	v56 =	vld [tilespmem:$0xE0];
	v35 =	vor.u32 v36, v35;
	v37 =	vor.u32 v37, v40;
	v38 =	vor.u32 v29, v38  }
0x4e: {  	v49 =	vld [tilespmem:$0xF0];
	v39 =	vadd.s32 v0, v39;
	v40 =	vshll.u32 v63, $0x7;
	v54 =	vadd.s32 v5, v45  }
0x4f: {  	v61 =	vld [tilespmem:$0x100];
	v45 =	vand.u32 $0xFFFE0000, v57;
	v36 =	vor.u32 v27, v35;
	v35 =	vor.u32 v28, v58  }
0x50: {  	v48 =	vld [tilespmem:$0xD0];
	v37 =	vor.u32 v30, v37;
	v39 =	vor.u32 v42, v39;
	v42 =	vand.u32 $0xFFFE0000, v50  }
0x51: {  	v40 =	vand.u32 $0x380, v40;
	v45 =	vadd.s32 v6, v45;
	v39 =	vor.u32 v31, v39  }
0x52: {  	v40 =	vor.u32 v40, v2;
	v45 =	vor.u32 v47, v45;
	v59 =	vshll.u32 v56, $0xE  }
0x53: {  	v46 =	vshll.u32 v56, $0x7;
	v51 =	vshll.u32 v49, $0xE;
	v49 =	vshll.u32 v49, $0x7  }
0x54: {  	v53 =	vld [tilespmem:$0x130];
	v56 =	vshll.u32 v61, $0xE;
	v40 =	vadd.s32 v42, v40;
	v42 =	vor.u32 v26, v43  }
0x55: {  	v43 =	vadd.s32 v4, v52;
	v50 =	vshll.u32 v48, $0xE;
	v48 =	vshll.u32 v48, $0x7  }
0x56: {  	v63 =	vld [tilespmem:$0x120];
	v45 =	vor.u32 v29, v45;
	v60 =	vand.u32 $0xFFFE0000, v59;
	v46 =	vand.u32 $0x380, v46  }
0x57: {  	v51 =	vand.u32 $0xFFFE0000, v51;
	v49 =	vand.u32 $0x380, v49;
	v43 =	vor.u32 v44, v43  }
0x58: {  	v44 =	vor.u32 v55, v54;
	v58 =	vand.u32 $0xFFFE0000, v50;
	v48 =	vand.u32 $0x380, v48  }
0x59: {  	v62 =	vadd.s32 v9, v51;
	v50 =	vshll.u32 v61, $0x7;
	v59 =	vshll.u32 v53, $0xE  }
0x5a: {  	v52 =	vld [tilespmem:$0x110];
	v53 =	vshll.u32 v53, $0x7;
	v43 =	vor.u32 v27, v43;
	v44 =	vor.u32 v28, v44  }
0x5b: {  	v47 =	vadd.s32 v7, v58;
	v50 =	vand.u32 $0x380, v50;
	v55 =	vshll.u32 v63, $0xE  }
0x5c: {  	v51 =	vshll.u32 v63, $0x7;
	v47 =	vor.u32 v48, v47;
	v48 =	vadd.s32 v8, v60  }
0x5d: {  	v50 =	vor.u32 v50, v10;
	v58 =	vand.u32 $0xFFFE0000, v55;
	v51 =	vand.u32 $0x380, v51  }
0x5e: {  	v55 =	vld [tilespmem:$0x150];
	v46 =	vor.u32 v46, v48;
	v47 =	vor.u32 v30, v47;
	v48 =	vor.u32 v49, v62  }
0x5f: {  	v49 =	vand.u32 $0xFFFE0000, v56;
	v56 =	vld [tilespmem:$0x140];
	v62 =	vand.u32 $0x380, v53;
	v54 =	vshll.u32 v52, $0xE  }
0x60: {  	v46 =	vor.u32 v31, v46;
	v52 =	vshll.u32 v52, $0x7;
	v54 =	vand.u32 $0xFFFE0000, v54  }
0x61: {  	v48 =	vor.u32 v32, v48;
	v52 =	vand.u32 $0x380, v52;
	v54 =	vadd.s32 v11, v54  }
0x62: {  	v49 =	vadd.s32 v49, v50;
	v57 =	vor.u32 v52, v54;
	v52 =	vadd.s32 v12, v58  }
0x63: {  	[tilespmem:$0x200] =	vst v34;
	v53 =	vld [tilespmem:$0x160];
	v54 =	vand.u32 $0xFFFE0000, v59;
	v59 =	vshll.u32 v55, $0xE;
	v60 =	vor.u32 v51, v52  }
0x64: {  	[tilespmem:$0x210] =	vst v33;
	v61 =	vadd.s32 v13, v54;
	v33 =	vor.u32 v26, v57;
	v54 =	vshll.u32 v56, $0xE  }
0x65: {  	[tilespmem:$0x270] =	vst v41;
	v58 =	vshll.u32 v56, $0x7;
	v63 =	vor.u32 v62, v61;
	v34 =	vor.u32 v27, v60  }
0x66: {  	[tilespmem:$0x220] =	vst v36;
	v51 =	vld [tilespmem:$0x170];
	v57 =	vand.u32 $0xFFFE0000, v54;
	v60 =	vand.u32 $0x380, v58;
	v61 =	vand.u32 $0xFFFE0000, v59  }
0x67: {  	[tilespmem:$0x230] =	vst v35;
	v52 =	vld [tilespmem:$0x190];
	v62 =	vshll.u32 v55, $0x7;
	v36 =	vor.u32 v28, v63;
	v35 =	vadd.s32 v14, v57  }
0x68: {  	[tilespmem:$0x240] =	vst v38;
	v63 =	vadd.s32 v15, v61;
	v56 =	vand.u32 $0x380, v62;
	v57 =	vshll.u32 v53, $0xE  }
0x69: {  	[tilespmem:$0x250] =	vst v37;
	v59 =	vld [tilespmem:$0x180];
	v35 =	vor.u32 v60, v35;
	v58 =	vand.u32 $0xFFFE0000, v57;
	v60 =	vshll.u32 v53, $0x7  }
0x6a: {  	[tilespmem:$0x260] =	vst v39;
	v37 =	vor.u32 v56, v63;
	v38 =	vadd.s32 v16, v58;
	v62 =	vand.u32 $0x380, v60  }
0x6b: {  	[tilespmem:$0x280] =	vst v40;
	v35 =	vor.u32 v29, v35;
	v37 =	vor.u32 v30, v37;
	v61 =	vshll.u32 v51, $0xE  }
0x6c: {  	[tilespmem:$0x290] =	vst v42;
	v56 =	vld [tilespmem:$0x1A0];
	v53 =	vshll.u32 v51, $0x7;
	v38 =	vor.u32 v62, v38;
	v58 =	vshll.u32 v52, $0xE  }
0x6d: {  	[tilespmem:$0x2A0] =	vst v43;
	v63 =	vand.u32 $0xFFFE0000, v61;
	v55 =	vand.u32 $0x380, v53;
	v38 =	vor.u32 v31, v38  }
0x6e: {  	[tilespmem:$0x2F0] =	vst v48;
	v48 =	vld [tilespmem:$0x1D0];
	v57 =	vshll.u32 v59, $0x7;
	v39 =	vshll.u32 v59, $0xE;
	v43 =	vand.u32 $0xFFFE0000, v58  }
0x6f: {  	[tilespmem:$0x2C0] =	vst v45;
	v60 =	vld [tilespmem:$0x1C0];
	v54 =	vadd.s32 v17, v63;
	v41 =	vand.u32 $0x380, v57;
	v39 =	vand.u32 $0xFFFE0000, v39  }
0x70: {  	[tilespmem:$0x2B0] =	vst v44;
	v61 =	vadd.s32 v19, v43;
	v63 =	vshll.u32 v52, $0x7;
	v40 =	vor.u32 v55, v54  }
0x71: {  	[tilespmem:$0x2D0] =	vst v47;
	v41 =	vor.u32 v41, v18;
	v62 =	vshll.u32 v56, $0xE;
	v42 =	vshll.u32 v56, $0x7  }
0x72: {  	[tilespmem:$0x2E0] =	vst v46;
	v59 =	vld [tilespmem:$0x1B0];
	v46 =	vand.u32 $0x380, v63;
	v40 =	vor.u32 v32, v40;
	v39 =	vadd.s32 v39, v41  }
0x73: {  	[tilespmem:$0x300] =	vst v49;
	v43 =	vand.u32 $0xFFFE0000, v62;
	v42 =	vand.u32 $0x380, v42;
	v49 =	vor.u32 v46, v61  }
0x74: {  	[tilespmem:$0x310] =	vst v33;
	v54 =	vshll.u32 v60, $0xE;
	v60 =	vshll.u32 v60, $0x7;
	v61 =	vshll.u32 v48, $0x7  }
0x75: {  	[tilespmem:$0x350] =	vst v37;
	v55 =	vld [tilespmem:$0x1E0];
	v43 =	vadd.s32 v20, v43;
	v57 =	vand.u32 $0xFFFE0000, v54;
	v37 =	vand.u32 $0x380, v60  }
0x76: {  	[tilespmem:$0x320] =	vst v34;
	v63 =	vand.u32 $0x380, v61;
	v33 =	vor.u32 v26, v49;
	v50 =	vor.u32 v42, v43  }
0x77: {  	[tilespmem:$0x330] =	vst v36;
	v51 =	vshll.u32 v59, $0xE;
	v53 =	vshll.u32 v59, $0x7;
	v58 =	vadd.s32 v22, v57  }
0x78: {  	[tilespmem:$0x340] =	vst v35;
	v62 =	vld [tilespmem:$0x1F0];
	v59 =	vshll.u32 v48, $0xE;
	v52 =	vand.u32 $0xFFFE0000, v51;
	v56 =	vand.u32 $0x380, v53  }
0x79: {  	[tilespmem:$0x360] =	vst v38;
	v36 =	vand.u32 $0xFFFE0000, v59;
	v35 =	vor.u32 v37, v58;
	v44 =	vor.u32 v27, v50  }
0x7a: {  	[tilespmem:$0x370] =	vst v40;
	v34 =	vadd.s32 v21, v52;
	v36 =	vadd.s32 v23, v36;
	v40 =	vshll.u32 v55, $0xE  }
0x7b: {  	[tilespmem:$0x380] =	vst v39;
	v42 =	vshll.u32 v55, $0x7;
	v48 =	vor.u32 v29, v35;
	v34 =	vor.u32 v56, v34  }
0x7c: {  	[tilespmem:$0x390] =	vst v33;
	v36 =	vor.u32 v63, v36;
	v37 =	vand.u32 $0xFFFE0000, v40;
	v38 =	vand.u32 $0x380, v42  }
0x7d: {  	[tilespmem:$0x3A0] =	vst v44;
	v47 =	vshll.u32 v62, $0xE;
	v50 =	vshll.u32 v62, $0x7;
	v37 =	vadd.s32 v24, v37  }
0x7e: {  	[tilespmem:$0x3C0] =	vst v48;
	v45 =	vor.u32 v28, v34;
	v49 =	vand.u32 $0xFFFE0000, v47;
	v51 =	vor.u32 v30, v36  }
0x7f: {  	v52 =	vand.u32 $0x380, v50;
	v46 =	vor.u32 v38, v37;
	[tilespmem:$0x3B0] =	vst v45;
	v35 =	vadd.s32 v25, v49  }
0x80: {  	[tilespmem:$0x3D0] =	vst v51;
	v53 =	vor.u32 v31, v46;
	v54 =	vor.u32 v52, v35  }
0x81: {  	[tilespmem:$0x3E0] =	vst v53;
	v55 =	vor.u32 v32, v54  }
0x82: {  	[tilespmem:$0x3F0] =	vst v55  }
0x83: {  	[tilespmem:s10], [sflag:$0x1] =	stream.indirect.gather [hbm4b:s1+s8], $0x1, s9, s8, $0xb8;
	[tilespmem:$0x680] =	vst v63  }
0x84: {  	_ = 	snop  }
0x85: {  	[tilespmem:s12], [sflag:$0x1] =	stream.indirect.gather [hbm4b:s1+s8], $0x1, s11, s8, $0xb8;
	[tilespmem:$0x680] =	vst v63  }
0x86: {  	_ = 	snop  }
0x87: {  	[tilespmem:s14], [sflag:$0x1] =	stream.indirect.gather [hbm4b:s1+s8], $0x1, s13, s8, $0xb8;
	[tilespmem:$0x680] =	vst v63  }
0x88: {  	_ = 	snop  }
0x89: {  	[tilespmem:s16], [sflag:$0x1] =	stream.indirect.gather [hbm4b:s1+s8], $0x1, s15, s8, $0xb8;
	[tilespmem:$0x680] =	vst v63  }
0x8a: {  	_ =	swait.ge [sflag:s17], $0x80  }
0x8b: {  	[sflag:s17] =	ssyncset.done $0x0  }
0x8c: {  	[sflag:s17] =	ssyncadd.s32 $0xFFFFFF80  }
0x8d: {  	_ =	swait.ge [sflag:s17], $0x80  }
0x8e: {  	[sflag:s17] =	ssyncset.done $0x0  }
0x8f: {  	[sflag:s17] =	ssyncadd.s32 $0xFFFFFF80  }
0x90: {  	_ =	swait.ge [sflag:s17], $0x80  }
0x91: {  	[sflag:s17] =	ssyncset.done $0x0  }
0x92: {  	[sflag:s17] =	ssyncadd.s32 $0xFFFFFF80  }
0x93: {  	_ =	swait.ge [sflag:s17], $0x80  }
0x94: {  	[sflag:s17] =	ssyncset.done $0x0  }
0x95: {  	[sflag:s17] =	ssyncadd.s32 $0xFFFFFF80  }
0x96: {  	v56 =	vld [tilespmem:$0x400];
	_ =	sdelay $0x1  }
0x97: {  	v57 =	vld [tilespmem:$0x410];
	_ =	sdelay $0x1  }
0x98: {  	v58 =	vld [tilespmem:$0x420]  }
0x99: {  	v33 =	vadd.f32 $0.0e+00, v56  }
0x9a: {  	v59 =	vld [tilespmem:$0x430]  }
0x9b: {  	v33 =	vadd.f32 v57, v33  }
0x9c: {  	v60 =	vld [tilespmem:$0x440]  }
0x9d: {  	v33 =	vadd.f32 v58, v33  }
0x9e: {  	v61 =	vld [tilespmem:$0x450]  }
0x9f: {  	v33 =	vadd.f32 v59, v33  }
0xa0: {  	v62 =	vld [tilespmem:$0x460]  }
0xa1: {  	v33 =	vadd.f32 v60, v33  }
0xa2: {  	v63 =	vld [tilespmem:$0x470]  }
0xa3: {  	v33 =	vadd.f32 v61, v33  }
0xa4: {  	v40 =	vld [tilespmem:$0x480]  }
0xa5: {  	v33 =	vadd.f32 v62, v33  }
0xa6: {  	v41 =	vld [tilespmem:$0x490]  }
0xa7: {  	v33 =	vadd.f32 v63, v33  }
0xa8: {  	v42 =	vld [tilespmem:$0x4A0]  }
0xa9: {  	v33 =	vadd.f32 v40, v33  }
0xaa: {  	v43 =	vld [tilespmem:$0x4B0]  }
0xab: {  	v33 =	vadd.f32 v41, v33  }
0xac: {  	v44 =	vld [tilespmem:$0x4C0]  }
0xad: {  	v33 =	vadd.f32 v42, v33  }
0xae: {  	v45 =	vld [tilespmem:$0x4D0]  }
0xaf: {  	v33 =	vadd.f32 v43, v33  }
0xb0: {  	v46 =	vld [tilespmem:$0x4E0]  }
0xb1: {  	v33 =	vadd.f32 v44, v33  }
0xb2: {  	v47 =	vld [tilespmem:$0x4F0]  }
0xb3: {  	v33 =	vadd.f32 v45, v33  }
0xb4: {  	v48 =	vld [tilespmem:$0x500]  }
0xb5: {  	v33 =	vadd.f32 v46, v33  }
0xb6: {  	v49 =	vld [tilespmem:$0x510]  }
0xb7: {  	v33 =	vadd.f32 v47, v33  }
0xb8: {  	v50 =	vld [tilespmem:$0x520]  }
0xb9: {  	v33 =	vadd.f32 v48, v33  }
0xba: {  	v51 =	vld [tilespmem:$0x530]  }
0xbb: {  	v33 =	vadd.f32 v49, v33  }
0xbc: {  	v52 =	vld [tilespmem:$0x540]  }
0xbd: {  	v33 =	vadd.f32 v50, v33  }
0xbe: {  	v53 =	vld [tilespmem:$0x550]  }
0xbf: {  	v33 =	vadd.f32 v51, v33  }
0xc0: {  	v54 =	vld [tilespmem:$0x560]  }
0xc1: {  	v33 =	vadd.f32 v52, v33  }
0xc2: {  	v55 =	vld [tilespmem:$0x570]  }
0xc3: {  	v33 =	vadd.f32 v53, v33  }
0xc4: {  	v56 =	vld [tilespmem:$0x580]  }
0xc5: {  	v33 =	vadd.f32 v54, v33  }
0xc6: {  	v57 =	vld [tilespmem:$0x590]  }
0xc7: {  	v33 =	vadd.f32 v55, v33  }
0xc8: {  	v58 =	vld [tilespmem:$0x5A0]  }
0xc9: {  	v33 =	vadd.f32 v56, v33  }
0xca: {  	v59 =	vld [tilespmem:$0x5B0]  }
0xcb: {  	v33 =	vadd.f32 v57, v33  }
0xcc: {  	v60 =	vld [tilespmem:$0x5C0]  }
0xcd: {  	v33 =	vadd.f32 v58, v33  }
0xce: {  	v61 =	vld [tilespmem:$0x5D0]  }
0xcf: {  	v33 =	vadd.f32 v59, v33  }
0xd0: {  	v62 =	vld [tilespmem:$0x5E0]  }
0xd1: {  	v33 =	vadd.f32 v60, v33  }
0xd2: {  	v63 =	vld [tilespmem:$0x5F0]  }
0xd3: {  	v33 =	vadd.f32 v61, v33;
	_ =	sdelay $0x1  }
0xd4: {  	v33 =	vadd.f32 v62, v33;
	_ =	sdelay $0x1  }
0xd5: {  	v33 =	vadd.f32 v63, v33;
	_ =	sdelay $0x1  }
0xd6: {  	v33 =	vmul.f32 $-6.103515630e-04, v33  }
0xd7: {  	p0 =	sne.s32 s6, $0x1  }
.Ltmp0:
0xd8: {  	[tilespmem:$0x600] =	vst v33;
	(pc) =	sbr.rel @p0 .LBB2_1-.Ltmp0, $4  }
0xd9: {  	[hbm4b:s5+s3] =	stream.linear.scatter [tilespmem:s18], [sflag:$0x2], $0x80, $0x38;
	[tilespmem:$0x680] =	vst v63  }
0xda: {  	_ =	swait.ge [sflag:s7], $0x80  }
0xdb: {  	[sflag:s7] =	ssyncset.done $0x0  }
0xdc: {  	s6 =	sadd.s32 $0xFFFFFFFF, s6;
	[sflag:s7] =	ssyncadd.s32 $0xFFFFFF80  }
0xdd: {  	_ =	sfence.sel $0x180000  }
0xde: {  	[bflag:$0x0] =	sbarrier.arrive $0xFFFF  }
0xdf: {  	p0 =	sne.s32 s0, $0x0;
	_ =	strace $0x90000047  }
0xe0: {  	s0 =	sadd.s32 @!p0 $0x100000, s2;
	[bflag:$0x2] =	sbarrier.arrive $0xFFFF  }
0xe1: {  	[sflag:s0] =	ssyncadd.tile.s32 @!p0 $0x1;
	_ =	shalt  }
.Lfunc_end2:
_tile_overlayer_lowered:
.L_overlay_start_2:
0xe2: {  	(tag) =	ssettag $0x2  }
0xe3: {  	s0 =	rddreg [dreg:$0x0];
	s2 =	stileid.u32  }
0xe4: {  	s1 =	rddreg [dreg:$0x1];
	p0 =	sne.s32 s2, $0x0  }
0xe5: {  	s3 =	rddreg [dreg:$0x2];
	[bflag:$0x3] =	sbarrier.arrive $0xFFFF;
	s2 =	simm.s32 @!p0 $0x1C02  }
0xe6: {  	[timem:s3], [sflag:s2] =	dma.local @!p0 [hbm:s0], s1  }
0xe7: {  	s0 =	simm.s32 @!p0 $0x2  }
0xe8: {  	_ =	swait.ge @!p0 [sflag:s0], s1  }
0xe9: {  	s1 =	ssub.s32 @!p0 $0x0, s1;
	[sflag:s0] =	ssyncset.done @!p0 $0x0  }
0xea: {  	[sflag:s0] =	ssyncadd.s32 @!p0 s1  }
0xeb: {  	[bflag:$0x3] =	sbarrier.arrive $0xFFFF  }
0xec: {  	_ =	shalt  }

</sc_bundles>
